<compile_context>
chip_gen: v7x
topology: tpu7x:2x2x1
jax: 0.10.2.dev20260603
libtpu: 0.0.44.dev20260713+nightly
codegen_flags: <defaults>
</compile_context>

<pallas_src>
import functools

import jax
import jax.numpy as jnp
from jax import lax
from jax.experimental import pallas as pl
from jax.experimental.pallas import tpu as pltpu
from jax.experimental.pallas import tpu_sc as plsc

N = 10000
E = 320000
D_IN = 128
NHID = 64
NLAT = 16

NC = 2
NS = 16
L = 16
NW = NC * NS
CHUNK = 128
CH_PER_W = 80
EPW = CH_PER_W * CHUNK
EP = NW * EPW
NP = 10112
ROWS_PER_TILE = NP // NS

_MESH = dict(core_axis_name="c", subcore_axis_name="s")


def _deg_body(dst_hbm, out_hbm, idx_v, deg_v):
  cid = lax.axis_index("c")
  sid = lax.axis_index("s")
  w = cid * NS + sid
  pltpu.sync_copy(dst_hbm.at[pl.ds(w * EPW, EPW)], idx_v)

  @pl.loop(0, NP // L)
  def _(i):
    deg_v[pl.ds(i * L, L)] = jnp.zeros((L,), jnp.float32)

  ones = jnp.ones((L,), jnp.float32)

  @pl.loop(0, EPW // L)
  def _(j):
    idx = idx_v[pl.ds(j * L, L)]
    plsc.addupdate_scatter(deg_v, [idx], ones)

  pltpu.sync_copy(deg_v, out_hbm.at[w])


def _deg(dstp):
  mesh = plsc.VectorSubcoreMesh(**_MESH)
  return pl.kernel(
      _deg_body,
      out_type=jax.ShapeDtypeStruct((NW, NP), jnp.float32),
      mesh=mesh,
      scratch_types=[
          pltpu.VMEM((EPW,), jnp.int32),
          pltpu.VMEM((NP,), jnp.float32),
      ],
      compiler_params=pltpu.CompilerParams(needs_layout_passes=False),
  )(dstp)


def _agg_body(depth, hp_hbm, srcm_hbm, dstm_hbm, zeros_hbm, out_hbm,
              src2_v, dst2_v, rows_v, table_sh, acc_sh, sg, ss):
  cid = lax.axis_index("c")
  sid = lax.axis_index("s")
  w = cid * NS + sid
  r0 = sid * ROWS_PER_TILE
  tbl_cp = pltpu.async_copy(hp_hbm.at[pl.ds(r0, ROWS_PER_TILE)],
                            table_sh.at[pl.ds(r0, ROWS_PER_TILE)], sg.at[0])
  zro_cp = pltpu.async_copy(zeros_hbm.at[pl.ds(r0, ROWS_PER_TILE)],
                            acc_sh.at[pl.ds(r0, ROWS_PER_TILE)], sg.at[1])
  src_cp = pltpu.async_copy(srcm_hbm.at[pl.ds(w * CH_PER_W, CH_PER_W)],
                            src2_v, ss.at[0])
  dst_cp = pltpu.async_copy(dstm_hbm.at[pl.ds(w * CH_PER_W, CH_PER_W)],
                            dst2_v, ss.at[1])
  tbl_cp.wait()
  zro_cp.wait()
  src_cp.wait()
  dst_cp.wait()
  plsc.subcore_barrier()

  def gather(c, i):
    pltpu.async_copy(table_sh.at[src2_v.at[c]], rows_v.at[i], sg.at[i])

  def wait_gather(c, i):
    pltpu.make_async_copy(table_sh.at[src2_v.at[c]], rows_v.at[i],
                          sg.at[i]).wait()

  def scatter(c, i):
    pltpu.async_copy(rows_v.at[i], acc_sh.at[dst2_v.at[c]], ss.at[i], add=True)

  def wait_scatter(c, i):
    pltpu.make_async_copy(rows_v.at[i], acc_sh.at[dst2_v.at[c]],
                          ss.at[i]).wait()

  nfull = (CH_PER_W // depth) * depth
  tail = CH_PER_W - nfull

  for i in range(depth):
    gather(i, i)

  @pl.loop(0, nfull, step=depth)
  def _(k):
    for i in range(depth):
      wait_gather(k + i, i)
      scatter(k + i, i)
    for i in range(depth):
      wait_scatter(k + i, i)
      knext = jnp.where(k + depth + i >= CH_PER_W, i, k + depth + i)
      gather(knext, i)

  for i in range(tail):
    wait_gather(nfull + i, i)
    scatter(nfull + i, i)
  for i in range(tail):
    wait_scatter(nfull + i, i)
  for i in range(tail, depth):
    wait_gather(i, i)

  plsc.subcore_barrier()
  pltpu.sync_copy(acc_sh.at[pl.ds(r0, ROWS_PER_TILE)],
                  out_hbm.at[cid, pl.ds(r0, ROWS_PER_TILE)])


def _agg(hp, srcm, dstm, zeros_np, f, depth):
  mesh = plsc.VectorSubcoreMesh(**_MESH)
  return pl.kernel(
      functools.partial(_agg_body, depth),
      out_type=jax.ShapeDtypeStruct((NC, NP, f), jnp.float32),
      mesh=mesh,
      scratch_types=[
          pltpu.VMEM((CH_PER_W, CHUNK), jnp.int32),
          pltpu.VMEM((CH_PER_W, CHUNK), jnp.int32),
          pltpu.VMEM((depth, CHUNK, f), jnp.float32),
          pltpu.VMEM_SHARED((NP, f), jnp.float32),
          pltpu.VMEM_SHARED((NP, f), jnp.float32),
          pltpu.SemaphoreType.DMA((depth,)),
          pltpu.SemaphoreType.DMA((depth,)),
      ],
      compiler_params=pltpu.CompilerParams(use_tc_tiling_on_sc=False),
  )(hp, srcm, dstm, zeros_np)


def _mm1_body(x_ref, w1_ref, h1_ref):
  h1_ref[...] = jnp.dot(x_ref[...], w1_ref[...],
                        preferred_element_type=jnp.float32,
                        precision=lax.Precision.HIGHEST)


def _mm1(x, W1):
  bm = 1000
  return pl.pallas_call(
      _mm1_body,
      grid=(N // bm,),
      in_specs=[
          pl.BlockSpec((bm, D_IN), lambda i: (i, 0)),
          pl.BlockSpec((D_IN, NHID), lambda i: (0, 0)),
      ],
      out_specs=pl.BlockSpec((bm, NHID), lambda i: (i, 0)),
      out_shape=jax.ShapeDtypeStruct((NP, NHID), jnp.float32),
  )(x, W1)


def _dinv_body(degp_ref, h1_ref, dinv_ref, h1p_ref):
  deg = jnp.sum(degp_ref[...], axis=0) + 1.0
  dinv = lax.rsqrt(deg)[:, None]
  dinv_ref[...] = dinv
  h1p_ref[...] = h1_ref[...] * dinv


def _dinv(degp, h1):
  return pl.pallas_call(
      _dinv_body,
      grid=(1,),
      in_specs=[
          pl.BlockSpec((NW, NP), lambda i: (0, 0)),
          pl.BlockSpec((NP, NHID), lambda i: (0, 0)),
      ],
      out_specs=[
          pl.BlockSpec((NP, 1), lambda i: (0, 0)),
          pl.BlockSpec((NP, NHID), lambda i: (0, 0)),
      ],
      out_shape=[
          jax.ShapeDtypeStruct((NP, 1), jnp.float32),
          jax.ShapeDtypeStruct((NP, NHID), jnp.float32),
      ],
  )(degp, h1)


def _mid_body(p_ref, h1p_ref, dinv_ref, b1_ref, w2_ref, h2p_ref):
  dinv = dinv_ref[...]
  s = (p_ref[0] + p_ref[1] + h1p_ref[...]) * dinv + b1_ref[...]
  h = jnp.maximum(s, 0.0)
  h2 = jnp.dot(h, w2_ref[...], preferred_element_type=jnp.float32,
               precision=lax.Precision.HIGHEST)
  h2p_ref[...] = h2 * dinv


def _mid(p, h1p, dinv, b1, W2):
  bm = 1000
  return pl.pallas_call(
      _mid_body,
      grid=(N // bm,),
      in_specs=[
          pl.BlockSpec((NC, bm, NHID), lambda i: (0, i, 0)),
          pl.BlockSpec((bm, NHID), lambda i: (i, 0)),
          pl.BlockSpec((bm, 1), lambda i: (i, 0)),
          pl.BlockSpec((1, NHID), lambda i: (0, 0)),
          pl.BlockSpec((NHID, NLAT), lambda i: (0, 0)),
      ],
      out_specs=pl.BlockSpec((bm, NLAT), lambda i: (i, 0)),
      out_shape=jax.ShapeDtypeStruct((NP, NLAT), jnp.float32),
  )(p, h1p, dinv, b1, W2)


def _zk_body(q_ref, h2p_ref, dinv_ref, b2_ref, z_ref):
  z = (q_ref[0] + q_ref[1] + h2p_ref[...]) * dinv_ref[...] + b2_ref[...]
  z_ref[...] = z.astype(jnp.bfloat16)


def _zk(q, h2p, dinv, b2):
  bm = 1000
  return pl.pallas_call(
      _zk_body,
      grid=(N // bm,),
      in_specs=[
          pl.BlockSpec((NC, bm, NLAT), lambda i: (0, i, 0)),
          pl.BlockSpec((bm, NLAT), lambda i: (i, 0)),
          pl.BlockSpec((bm, 1), lambda i: (i, 0)),
          pl.BlockSpec((1, NLAT), lambda i: (0, 0)),
      ],
      out_specs=pl.BlockSpec((bm, NLAT), lambda i: (i, 0)),
      out_shape=jax.ShapeDtypeStruct((N, NLAT), jnp.bfloat16),
  )(q, h2p, dinv, b2)


def _dec_body(zi_ref, zj_ref, out_ref):
  out_ref[...] = lax.dot_general(
      zi_ref[...], zj_ref[...],
      dimension_numbers=(((1,), (1,)), ((), ())),
      preferred_element_type=jnp.float32)


def _dec(z):
  bm = 400
  return pl.pallas_call(
      _dec_body,
      grid=(N // bm,),
      in_specs=[
          pl.BlockSpec((bm, NLAT), lambda i: (i, 0)),
          pl.BlockSpec((N, NLAT), lambda i: (0, 0)),
      ],
      out_specs=pl.BlockSpec((bm, N), lambda i: (i, 0)),
      out_shape=jax.ShapeDtypeStruct((N, N), jnp.float32),
      compiler_params=pltpu.CompilerParams(
          dimension_semantics=("parallel",)),
  )(z, z)


def kernel(x, edge_index, W1, b1, W2, b2):
  src = edge_index[0]
  dst = edge_index[1]
  pad = EP - E
  srcp = jnp.concatenate([src, jnp.zeros((pad,), jnp.int32)])
  dstp = jnp.concatenate([dst, jnp.full((pad,), N, jnp.int32)])
  srcm = srcp.reshape(NW * CH_PER_W, CHUNK)
  dstm = dstp.reshape(NW * CH_PER_W, CHUNK)
  zeros64 = jnp.zeros((NP, NHID), jnp.float32)
  zeros16 = jnp.zeros((NP, NLAT), jnp.float32)

  degp = _deg(dstp)
  h1 = _mm1(x, W1)
  dinv, h1p = _dinv(degp, h1)
  p = _agg(h1p, srcm, dstm, zeros64, NHID, 2)
  h2p = _mid(p, h1p, dinv, b1.reshape(1, NHID), W2)
  q = _agg(h2p, srcm, dstm, zeros16, NLAT, 2)
  z = _zk(q, h2p, dinv, b2.reshape(1, NLAT))
  return _dec(z)

# --- scband reference (transcript-rebuilt; emitter-appended) ---
"""Pipeline reference for scband-gae-88175678587400 (READ-ONLY COPY).

The authoritative reference and input builder live on the scoring server;
editing this copy changes nothing except your own understanding.
"""

import jax, jax.numpy as jnp
import numpy as np

N = 10000
E = 320000
D_IN = 128
NHID = 64
NLAT = 16


def setup_inputs(seed: int = 0) -> dict:
    key = jax.random.key(seed)
    ks = jax.random.split(key, 6)
    x = jax.random.normal(ks[0], (N, D_IN), dtype=jnp.float32)
    edge_index = jax.random.randint(ks[1], (2, E), 0, N, dtype=jnp.int32)
    W1 = jax.random.normal(ks[2], (D_IN, NHID), dtype=jnp.float32) * (1.0 / np.sqrt(D_IN))
    b1 = jnp.zeros((NHID,), dtype=jnp.float32)
    W2 = jax.random.normal(ks[3], (NHID, NLAT), dtype=jnp.float32) * (1.0 / np.sqrt(NHID))
    b2 = jnp.zeros((NLAT,), dtype=jnp.float32)
    return {"x": x, "edge_index": edge_index, "W1": W1, "b1": b1, "W2": W2, "b2": b2}


def _gcn_conv(x, src, dst, norm, W, b, n):
    # GCNConv: h = D^{-1/2} (A + I) D^{-1/2} (x W) + b
    h = x @ W
    msg = h[src] * norm[:, None]
    out = jax.ops.segment_sum(msg, dst, num_segments=n)
    return out + b


def reference(x, edge_index, W1, b1, W2, b2):
    # Dropout is identity in eval mode (training=False), so it is omitted.
    n = x.shape[0]
    loop = jnp.arange(n, dtype=edge_index.dtype)
    src = jnp.concatenate([edge_index[0], loop])
    dst = jnp.concatenate([edge_index[1], loop])
    deg = jnp.zeros((n,), dtype=jnp.float32).at[dst].add(1.0)
    dinv = jnp.where(deg > 0, 1.0 / jnp.sqrt(deg), 0.0)
    norm = dinv[src] * dinv[dst]
    h = _gcn_conv(x, src, dst, norm, W1, b1, n)
    h = jax.nn.relu(h)
    z = _gcn_conv(h, src, dst, norm, W2, b2, n)
    # inner-product decoder: dense N x N reconstruction
    return z @ z.T

if __name__ == "__main__":
    import jax
    _d = setup_inputs()
    print(jax.jit(kernel)(*tuple(_d.values())))

</pallas_src>

<mosaic_0001>
#map = affine_map<(d0, d1) -> (0)>
#map1 = affine_map<(d0, d1) -> (0, 0)>
module attributes {stable_mosaic.version = 14 : i64} {
  func.func @_deg_body(%arg0: i32, %arg1: i32, %arg2: memref<327680xi32, #tpu.memory_space<hbm>>, %arg3: memref<32x10112xf32, #tpu.memory_space<hbm>>, %arg4: memref<10240xi32, #tpu.memory_space<vmem>>, %arg5: memref<10112xf32, #tpu.memory_space<vmem>>) attributes {dimension_semantics = [#tpu.dimension_semantics<core_parallel>, #tpu.dimension_semantics<subcore_parallel>], iteration_bounds = array<i64: 2, 16>, scalar_prefetch = 0 : i64, scratch_operands = 2 : i64, tpu.core_type = #tpu.core_type<sc_vector_subcore>, window_params = [{transform_indices = #map}, {transform_indices = #map1}]} {
    %mul3A = arith.constant 16 : i32
    %mul3A_0 = arith.muli %arg0, %mul3A : i32
    %add3A = arith.addi %mul3A_0, %arg1 : i32
    %mul3A_1 = arith.constant 10240 : i32
    %mul3A_2 = arith.muli %add3A, %mul3A_1 : i32
    "tpu.region"() ({
      %run_scoped3A = tpu.sem_alloc : memref<!tpu.dma_semaphore, #tpu.memory_space<semaphore_mem>>
      %dma_start3A = tpu.memref_slice %arg2[%mul3A_2] : memref<327680xi32, #tpu.memory_space<hbm>> -> memref<10240xi32, #tpu.memory_space<hbm>>
      %dma_start3A_13 = tpu.memref_slice %arg2[%mul3A_2] : memref<327680xi32, #tpu.memory_space<hbm>> -> memref<10240xi32, #tpu.memory_space<hbm>>
      tpu.enqueue_dma source(%dma_start3A_13 : memref<10240xi32, #tpu.memory_space<hbm>>) target(%arg4 : memref<10240xi32, #tpu.memory_space<vmem>>) target_semaphore(%run_scoped3A : memref<!tpu.dma_semaphore, #tpu.memory_space<semaphore_mem>>)
      %dma_wait3A = tpu.memref_slice %arg2[%mul3A_2] : memref<327680xi32, #tpu.memory_space<hbm>> -> memref<10240xi32, #tpu.memory_space<hbm>>
      %dma_wait3A_14 = tpu.memref_slice %arg2[%mul3A_2] : memref<327680xi32, #tpu.memory_space<hbm>> -> memref<10240xi32, #tpu.memory_space<hbm>>
      tpu.wait_dma2 semaphore(%run_scoped3A : memref<!tpu.dma_semaphore, #tpu.memory_space<semaphore_mem>>) src(%dma_wait3A_14 : memref<10240xi32, #tpu.memory_space<hbm>>) dst(%arg4 : memref<10240xi32, #tpu.memory_space<vmem>>)
      tpu.yield
    }) : () -> ()
    %scan3A = arith.constant 0 : i32
    %scan3A_3 = arith.constant 632 : i32
    %scan3A_4 = arith.addi %scan3A, %scan3A_3 : i32
    %scan3A_5 = arith.constant 1 : i32
    scf.for %scan3A_13 = %scan3A to %scan3A_4 step %scan3A_5  : i32 {
      %mul3A_14 = arith.constant 1 : i32
      %mul3A_15 = arith.muli %scan3A_13, %mul3A_14 : i32
      %add3A_16 = arith.constant 0 : i32
      %add3A_17 = arith.addi %add3A_16, %mul3A_15 : i32
      %broadcast_in_dim3A_18 = arith.constant 0.000000e+00 : f32
      %broadcast_in_dim3A_19 = vector.broadcast %broadcast_in_dim3A_18 : f32 to vector<16xf32>
      %mul3A_20 = arith.constant 16 : i32
      %mul3A_21 = arith.muli %add3A_17, %mul3A_20 : i32
      %swap3A = arith.index_cast %mul3A_21 : i32 to index
      %swap3A_22 = tpu.vector_load %arg5[%swap3A] {strides = array<i32>} : memref<10112xf32, #tpu.memory_space<vmem>>, vector<16xf32>,
      tpu.vector_store %arg5[%swap3A], %broadcast_in_dim3A_19 {strides = array<i32>} : memref<10112xf32, #tpu.memory_space<vmem>>, vector<16xf32>,
    }
    %scan3A_6 = arith.constant 632 : i32
    %broadcast_in_dim3A = arith.constant 1.000000e+00 : f32
    %broadcast_in_dim3A_7 = vector.broadcast %broadcast_in_dim3A : f32 to vector<16xf32>
    %scan3A_8 = arith.constant 0 : i32
    %scan3A_9 = arith.constant 640 : i32
    %scan3A_10 = arith.addi %scan3A_8, %scan3A_9 : i32
    %scan3A_11 = arith.constant 1 : i32
    scf.for %scan3A_13 = %scan3A_8 to %scan3A_10 step %scan3A_11  : i32 {
      %mul3A_14 = arith.constant 1 : i32
      %mul3A_15 = arith.muli %scan3A_13, %mul3A_14 : i32
      %add3A_16 = arith.constant 0 : i32
      %add3A_17 = arith.addi %add3A_16, %mul3A_15 : i32
      %mul3A_18 = arith.constant 16 : i32
      %mul3A_19 = arith.muli %add3A_17, %mul3A_18 : i32
      %get3A = arith.index_cast %mul3A_19 : i32 to index
      %get3A_20 = tpu.vector_load %arg4[%get3A] {strides = array<i32>} : memref<10240xi32, #tpu.memory_space<vmem>>, vector<16xi32>,
      tpu.vector_store_idx %arg5[%get3A_20], %broadcast_in_dim3A_7 {add = true} : memref<10112xf32, #tpu.memory_space<vmem>>[vector<16xi32>], vector<16xf32>,
    }
    %scan3A_12 = arith.constant 640 : i32
    "tpu.region"() ({
      %run_scoped3A = tpu.sem_alloc : memref<!tpu.dma_semaphore, #tpu.memory_space<semaphore_mem>>
      %dma_start3A = arith.constant 0 : i32
      %dma_start3A_13 = tpu.memref_slice %arg3[%add3A, %dma_start3A] : memref<32x10112xf32, #tpu.memory_space<hbm>> -> memref<1x10112xf32, #tpu.memory_space<hbm>>
      %dma_start3A_14 = tpu.memref_squeeze %dma_start3A_13 : memref<1x10112xf32, #tpu.memory_space<hbm>> -> memref<10112xf32, #tpu.memory_space<hbm>>
      %dma_start3A_15 = arith.constant 0 : i32
      %dma_start3A_16 = tpu.memref_slice %arg3[%add3A, %dma_start3A_15] : memref<32x10112xf32, #tpu.memory_space<hbm>> -> memref<1x10112xf32, #tpu.memory_space<hbm>>
      %dma_start3A_17 = tpu.memref_squeeze %dma_start3A_16 : memref<1x10112xf32, #tpu.memory_space<hbm>> -> memref<10112xf32, #tpu.memory_space<hbm>>
      tpu.enqueue_dma source(%arg5 : memref<10112xf32, #tpu.memory_space<vmem>>) target(%dma_start3A_17 : memref<10112xf32, #tpu.memory_space<hbm>>) target_semaphore(%run_scoped3A : memref<!tpu.dma_semaphore, #tpu.memory_space<semaphore_mem>>)
      %dma_wait3A = arith.constant 0 : i32
      %dma_wait3A_18 = tpu.memref_slice %arg3[%add3A, %dma_wait3A] : memref<32x10112xf32, #tpu.memory_space<hbm>> -> memref<1x10112xf32, #tpu.memory_space<hbm>>
      %dma_wait3A_19 = tpu.memref_squeeze %dma_wait3A_18 : memref<1x10112xf32, #tpu.memory_space<hbm>> -> memref<10112xf32, #tpu.memory_space<hbm>>
      %dma_wait3A_20 = arith.constant 0 : i32
      %dma_wait3A_21 = tpu.memref_slice %arg3[%add3A, %dma_wait3A_20] : memref<32x10112xf32, #tpu.memory_space<hbm>> -> memref<1x10112xf32, #tpu.memory_space<hbm>>
      %dma_wait3A_22 = tpu.memref_squeeze %dma_wait3A_21 : memref<1x10112xf32, #tpu.memory_space<hbm>> -> memref<10112xf32, #tpu.memory_space<hbm>>
      tpu.wait_dma2 semaphore(%run_scoped3A : memref<!tpu.dma_semaphore, #tpu.memory_space<semaphore_mem>>) src(%arg5 : memref<10112xf32, #tpu.memory_space<vmem>>) dst(%dma_wait3A_22 : memref<10112xf32, #tpu.memory_space<hbm>>)
      tpu.yield
    }) : () -> ()
    return
  }
}

#map = affine_map<(d0, d1) -> (0, 0)>
#map1 = affine_map<(d0, d1) -> (0, 0, 0)>
module attributes {stable_mosaic.version = 14 : i64} {
  func.func @_agg_body(%arg0: i32, %arg1: i32, %arg2: memref<10112x64xf32, #tpu.memory_space<hbm>>, %arg3: memref<2560x128xi32, #tpu.memory_space<hbm>>, %arg4: memref<2560x128xi32, #tpu.memory_space<hbm>>, %arg5: memref<10112x64xf32, #tpu.memory_space<hbm>>, %arg6: memref<2x10112x64xf32, #tpu.memory_space<hbm>>, %arg7: memref<80x128xi32, #tpu.memory_space<vmem>>, %arg8: memref<80x128xi32, #tpu.memory_space<vmem>>, %arg9: memref<2x128x64xf32, #tpu.memory_space<vmem>>, %arg10: memref<10112x64xf32, #tpu.memory_space<vmem_shared>>, %arg11: memref<10112x64xf32, #tpu.memory_space<vmem_shared>>, %arg12: memref<2x!tpu.dma_semaphore, #tpu.memory_space<semaphore_mem>>, %arg13: memref<2x!tpu.dma_semaphore, #tpu.memory_space<semaphore_mem>>) attributes {dimension_semantics = [#tpu.dimension_semantics<core_parallel>, #tpu.dimension_semantics<subcore_parallel>], iteration_bounds = array<i64: 2, 16>, scalar_prefetch = 0 : i64, scratch_operands = 7 : i64, tpu.core_type = #tpu.core_type<sc_vector_subcore>, window_params = [{transform_indices = #map}, {transform_indices = #map}, {transform_indices = #map}, {transform_indices = #map}, {transform_indices = #map1}]} {
    %mul3A = arith.constant 16 : i32
    %mul3A_0 = arith.muli %arg0, %mul3A : i32
    %add3A = arith.addi %mul3A_0, %arg1 : i32
    %mul3A_1 = arith.constant 632 : i32
    %mul3A_2 = arith.muli %arg1, %mul3A_1 : i32
    %dma_start3A = arith.constant 0 : i32
    %dma_start3A_3 = tpu.memref_slice %arg12[%dma_start3A] : memref<2x!tpu.dma_semaphore, #tpu.memory_space<semaphore_mem>> -> memref<1x!tpu.dma_semaphore, #tpu.memory_space<semaphore_mem>>
    %dma_start3A_4 = tpu.memref_squeeze %dma_start3A_3 : memref<1x!tpu.dma_semaphore, #tpu.memory_space<semaphore_mem>> -> memref<!tpu.dma_semaphore, #tpu.memory_space<semaphore_mem>>
    %dma_start3A_5 = arith.constant 0 : i32
    %dma_start3A_6 = tpu.memref_slice %arg10[%mul3A_2, %dma_start3A_5] : memref<10112x64xf32, #tpu.memory_space<vmem_shared>> -> memref<632x64xf32, #tpu.memory_space<vmem_shared>>
    %dma_start3A_7 = arith.constant 0 : i32
    %dma_start3A_8 = tpu.memref_slice %arg2[%mul3A_2, %dma_start3A_7] : memref<10112x64xf32, #tpu.memory_space<hbm>> -> memref<632x64xf32, #tpu.memory_space<hbm>>
    tpu.enqueue_dma source(%dma_start3A_8 : memref<632x64xf32, #tpu.memory_space<hbm>>) target(%dma_start3A_6 : memref<632x64xf32, #tpu.memory_space<vmem_shared>>) target_semaphore(%dma_start3A_4 : memref<!tpu.dma_semaphore, #tpu.memory_space<semaphore_mem>>)
    %dma_start3A_9 = arith.constant 1 : i32
    %dma_start3A_10 = tpu.memref_slice %arg12[%dma_start3A_9] : memref<2x!tpu.dma_semaphore, #tpu.memory_space<semaphore_mem>> -> memref<1x!tpu.dma_semaphore, #tpu.memory_space<semaphore_mem>>
    %dma_start3A_11 = tpu.memref_squeeze %dma_start3A_10 : memref<1x!tpu.dma_semaphore, #tpu.memory_space<semaphore_mem>> -> memref<!tpu.dma_semaphore, #tpu.memory_space<semaphore_mem>>
    %dma_start3A_12 = arith.constant 0 : i32
    %dma_start3A_13 = tpu.memref_slice %arg11[%mul3A_2, %dma_start3A_12] : memref<10112x64xf32, #tpu.memory_space<vmem_shared>> -> memref<632x64xf32, #tpu.memory_space<vmem_shared>>
    %dma_start3A_14 = arith.constant 0 : i32
    %dma_start3A_15 = tpu.memref_slice %arg5[%mul3A_2, %dma_start3A_14] : memref<10112x64xf32, #tpu.memory_space<hbm>> -> memref<632x64xf32, #tpu.memory_space<hbm>>
    tpu.enqueue_dma source(%dma_start3A_15 : memref<632x64xf32, #tpu.memory_space<hbm>>) target(%dma_start3A_13 : memref<632x64xf32, #tpu.memory_space<vmem_shared>>) target_semaphore(%dma_start3A_11 : memref<!tpu.dma_semaphore, #tpu.memory_space<semaphore_mem>>)
    %mul3A_16 = arith.constant 80 : i32
    %mul3A_17 = arith.muli %add3A, %mul3A_16 : i32
    %dma_start3A_18 = arith.constant 0 : i32
    %dma_start3A_19 = arith.constant 0 : i32
    %dma_start3A_20 = tpu.memref_slice %arg3[%mul3A_17, %dma_start3A_19] : memref<2560x128xi32, #tpu.memory_space<hbm>> -> memref<80x128xi32, #tpu.memory_space<hbm>>
    %dma_start3A_21 = tpu.memref_slice %arg13[%dma_start3A_18] : memref<2x!tpu.dma_semaphore, #tpu.memory_space<semaphore_mem>> -> memref<1x!tpu.dma_semaphore, #tpu.memory_space<semaphore_mem>>
    %dma_start3A_22 = tpu.memref_squeeze %dma_start3A_21 : memref<1x!tpu.dma_semaphore, #tpu.memory_space<semaphore_mem>> -> memref<!tpu.dma_semaphore, #tpu.memory_space<semaphore_mem>>
    %dma_start3A_23 = arith.constant 0 : i32
    %dma_start3A_24 = tpu.memref_slice %arg3[%mul3A_17, %dma_start3A_23] : memref<2560x128xi32, #tpu.memory_space<hbm>> -> memref<80x128xi32, #tpu.memory_space<hbm>>
    tpu.enqueue_dma source(%dma_start3A_24 : memref<80x128xi32, #tpu.memory_space<hbm>>) target(%arg7 : memref<80x128xi32, #tpu.memory_space<vmem>>) target_semaphore(%dma_start3A_22 : memref<!tpu.dma_semaphore, #tpu.memory_space<semaphore_mem>>)
    %mul3A_25 = arith.constant 80 : i32
    %mul3A_26 = arith.muli %add3A, %mul3A_25 : i32
    %dma_start3A_27 = arith.constant 1 : i32
    %dma_start3A_28 = arith.constant 0 : i32
    %dma_start3A_29 = tpu.memref_slice %arg4[%mul3A_26, %dma_start3A_28] : memref<2560x128xi32, #tpu.memory_space<hbm>> -> memref<80x128xi32, #tpu.memory_space<hbm>>
    %dma_start3A_30 = tpu.memref_slice %arg13[%dma_start3A_27] : memref<2x!tpu.dma_semaphore, #tpu.memory_space<semaphore_mem>> -> memref<1x!tpu.dma_semaphore, #tpu.memory_space<semaphore_mem>>
    %dma_start3A_31 = tpu.memref_squeeze %dma_start3A_30 : memref<1x!tpu.dma_semaphore, #tpu.memory_space<semaphore_mem>> -> memref<!tpu.dma_semaphore, #tpu.memory_space<semaphore_mem>>
    %dma_start3A_32 = arith.constant 0 : i32
    %dma_start3A_33 = tpu.memref_slice %arg4[%mul3A_26, %dma_start3A_32] : memref<2560x128xi32, #tpu.memory_space<hbm>> -> memref<80x128xi32, #tpu.memory_space<hbm>>
    tpu.enqueue_dma source(%dma_start3A_33 : memref<80x128xi32, #tpu.memory_space<hbm>>) target(%arg8 : memref<80x128xi32, #tpu.memory_space<vmem>>) target_semaphore(%dma_start3A_31 : memref<!tpu.dma_semaphore, #tpu.memory_space<semaphore_mem>>)
    %dma_wait3A = arith.constant 0 : i32
    %dma_wait3A_34 = tpu.memref_slice %arg12[%dma_wait3A] : memref<2x!tpu.dma_semaphore, #tpu.memory_space<semaphore_mem>> -> memref<1x!tpu.dma_semaphore, #tpu.memory_space<semaphore_mem>>
    %dma_wait3A_35 = tpu.memref_squeeze %dma_wait3A_34 : memref<1x!tpu.dma_semaphore, #tpu.memory_space<semaphore_mem>> -> memref<!tpu.dma_semaphore, #tpu.memory_space<semaphore_mem>>
    %dma_wait3A_36 = arith.constant 0 : i32
    %dma_wait3A_37 = tpu.memref_slice %arg10[%mul3A_2, %dma_wait3A_36] : memref<10112x64xf32, #tpu.memory_space<vmem_shared>> -> memref<632x64xf32, #tpu.memory_space<vmem_shared>>
    %dma_wait3A_38 = arith.constant 0 : i32
    %dma_wait3A_39 = tpu.memref_slice %arg2[%mul3A_2, %dma_wait3A_38] : memref<10112x64xf32, #tpu.memory_space<hbm>> -> memref<632x64xf32, #tpu.memory_space<hbm>>
    tpu.wait_dma2 semaphore(%dma_wait3A_35 : memref<!tpu.dma_semaphore, #tpu.memory_space<semaphore_mem>>) src(%dma_wait3A_39 : memref<632x64xf32, #tpu.memory_space<hbm>>) dst(%dma_wait3A_37 : memref<632x64xf32, #tpu.memory_space<vmem_shared>>)
    %dma_wait3A_40 = arith.constant 1 : i32
    %dma_wait3A_41 = tpu.memref_slice %arg12[%dma_wait3A_40] : memref<2x!tpu.dma_semaphore, #tpu.memory_space<semaphore_mem>> -> memref<1x!tpu.dma_semaphore, #tpu.memory_space<semaphore_mem>>
    %dma_wait3A_42 = tpu.memref_squeeze %dma_wait3A_41 : memref<1x!tpu.dma_semaphore, #tpu.memory_space<semaphore_mem>> -> memref<!tpu.dma_semaphore, #tpu.memory_space<semaphore_mem>>
    %dma_wait3A_43 = arith.constant 0 : i32
    %dma_wait3A_44 = tpu.memref_slice %arg11[%mul3A_2, %dma_wait3A_43] : memref<10112x64xf32, #tpu.memory_space<vmem_shared>> -> memref<632x64xf32, #tpu.memory_space<vmem_shared>>
    %dma_wait3A_45 = arith.constant 0 : i32
    %dma_wait3A_46 = tpu.memref_slice %arg5[%mul3A_2, %dma_wait3A_45] : memref<10112x64xf32, #tpu.memory_space<hbm>> -> memref<632x64xf32, #tpu.memory_space<hbm>>
    tpu.wait_dma2 semaphore(%dma_wait3A_42 : memref<!tpu.dma_semaphore, #tpu.memory_space<semaphore_mem>>) src(%dma_wait3A_46 : memref<632x64xf32, #tpu.memory_space<hbm>>) dst(%dma_wait3A_44 : memref<632x64xf32, #tpu.memory_space<vmem_shared>>)
    %dma_wait3A_47 = arith.constant 0 : i32
    %dma_wait3A_48 = arith.constant 0 : i32
    %dma_wait3A_49 = tpu.memref_slice %arg3[%mul3A_17, %dma_wait3A_48] : memref<2560x128xi32, #tpu.memory_space<hbm>> -> memref<80x128xi32, #tpu.memory_space<hbm>>
    %dma_wait3A_50 = tpu.memref_slice %arg13[%dma_wait3A_47] : memref<2x!tpu.dma_semaphore, #tpu.memory_space<semaphore_mem>> -> memref<1x!tpu.dma_semaphore, #tpu.memory_space<semaphore_mem>>
    %dma_wait3A_51 = tpu.memref_squeeze %dma_wait3A_50 : memref<1x!tpu.dma_semaphore, #tpu.memory_space<semaphore_mem>> -> memref<!tpu.dma_semaphore, #tpu.memory_space<semaphore_mem>>
    %dma_wait3A_52 = arith.constant 0 : i32
    %dma_wait3A_53 = tpu.memref_slice %arg3[%mul3A_17, %dma_wait3A_52] : memref<2560x128xi32, #tpu.memory_space<hbm>> -> memref<80x128xi32, #tpu.memory_space<hbm>>
    tpu.wait_dma2 semaphore(%dma_wait3A_51 : memref<!tpu.dma_semaphore, #tpu.memory_space<semaphore_mem>>) src(%dma_wait3A_53 : memref<80x128xi32, #tpu.memory_space<hbm>>) dst(%arg7 : memref<80x128xi32, #tpu.memory_space<vmem>>)
    %dma_wait3A_54 = arith.constant 1 : i32
    %dma_wait3A_55 = arith.constant 0 : i32
    %dma_wait3A_56 = tpu.memref_slice %arg4[%mul3A_26, %dma_wait3A_55] : memref<2560x128xi32, #tpu.memory_space<hbm>> -> memref<80x128xi32, #tpu.memory_space<hbm>>
    %dma_wait3A_57 = tpu.memref_slice %arg13[%dma_wait3A_54] : memref<2x!tpu.dma_semaphore, #tpu.memory_space<semaphore_mem>> -> memref<1x!tpu.dma_semaphore, #tpu.memory_space<semaphore_mem>>
    %dma_wait3A_58 = tpu.memref_squeeze %dma_wait3A_57 : memref<1x!tpu.dma_semaphore, #tpu.memory_space<semaphore_mem>> -> memref<!tpu.dma_semaphore, #tpu.memory_space<semaphore_mem>>
    %dma_wait3A_59 = arith.constant 0 : i32
    %dma_wait3A_60 = tpu.memref_slice %arg4[%mul3A_26, %dma_wait3A_59] : memref<2560x128xi32, #tpu.memory_space<hbm>> -> memref<80x128xi32, #tpu.memory_space<hbm>>
    tpu.wait_dma2 semaphore(%dma_wait3A_58 : memref<!tpu.dma_semaphore, #tpu.memory_space<semaphore_mem>>) src(%dma_wait3A_60 : memref<80x128xi32, #tpu.memory_space<hbm>>) dst(%arg8 : memref<80x128xi32, #tpu.memory_space<vmem>>)
    %barrier3A = arith.constant 0 : index
    tpu.barrier barrier_id(%barrier3A)
    %dma_start3A_61 = arith.constant 0 : i32
    %dma_start3A_62 = arith.constant 0 : i32
    %dma_start3A_63 = arith.constant 0 : i32
    %dma_start3A_64 = arith.constant 0 : i32
    %dma_start3A_65 = arith.constant 0 : i32
    %dma_start3A_66 = tpu.memref_slice %arg9[%dma_start3A_62, %dma_start3A_64, %dma_start3A_65] : memref<2x128x64xf32, #tpu.memory_space<vmem>> -> memref<1x128x64xf32, #tpu.memory_space<vmem>>
    %dma_start3A_67 = tpu.memref_squeeze %dma_start3A_66 : memref<1x128x64xf32, #tpu.memory_space<vmem>> -> memref<128x64xf32, #tpu.memory_space<vmem>>
    %dma_start3A_68 = arith.constant 0 : i32
    %dma_start3A_69 = tpu.memref_slice %arg7[%dma_start3A_61, %dma_start3A_68] : memref<80x128xi32, #tpu.memory_space<vmem>> -> memref<1x128xi32, #tpu.memory_space<vmem>>
    %dma_start3A_70 = tpu.memref_squeeze %dma_start3A_69 : memref<1x128xi32, #tpu.memory_space<vmem>> -> memref<128xi32, #tpu.memory_space<vmem>>
    %dma_start3A_71 = arith.constant 0 : i32
    %dma_start3A_72 = arith.constant 0 : i32
    %dma_start3A_73 = tpu.memref_slice %arg10[%dma_start3A_71, %dma_start3A_72] : memref<10112x64xf32, #tpu.memory_space<vmem_shared>> -> memref<10112x64xf32, #tpu.memory_space<vmem_shared>>
    %dma_start3A_74 = tpu.memref_slice %arg12[%dma_start3A_63] : memref<2x!tpu.dma_semaphore, #tpu.memory_space<semaphore_mem>> -> memref<1x!tpu.dma_semaphore, #tpu.memory_space<semaphore_mem>>
    %dma_start3A_75 = tpu.memref_squeeze %dma_start3A_74 : memref<1x!tpu.dma_semaphore, #tpu.memory_space<semaphore_mem>> -> memref<!tpu.dma_semaphore, #tpu.memory_space<semaphore_mem>>
    tpu.enqueue_indirect_dma source(%dma_start3A_73 : memref<10112x64xf32, #tpu.memory_space<vmem_shared>>) target(%dma_start3A_67 : memref<128x64xf32, #tpu.memory_space<vmem>>) offsets(%dma_start3A_70 : memref<128xi32, #tpu.memory_space<vmem>>) semaphore(%dma_start3A_75 : memref<!tpu.dma_semaphore, #tpu.memory_space<semaphore_mem>>)
    %dma_start3A_76 = arith.constant 1 : i32
    %dma_start3A_77 = arith.constant 1 : i32
    %dma_start3A_78 = arith.constant 1 : i32
    %dma_start3A_79 = arith.constant 0 : i32
    %dma_start3A_80 = arith.constant 0 : i32
    %dma_start3A_81 = tpu.memref_slice %arg9[%dma_start3A_77, %dma_start3A_79, %dma_start3A_80] : memref<2x128x64xf32, #tpu.memory_space<vmem>> -> memref<1x128x64xf32, #tpu.memory_space<vmem>>
    %dma_start3A_82 = tpu.memref_squeeze %dma_start3A_81 : memref<1x128x64xf32, #tpu.memory_space<vmem>> -> memref<128x64xf32, #tpu.memory_space<vmem>>
    %dma_start3A_83 = arith.constant 0 : i32
    %dma_start3A_84 = tpu.memref_slice %arg7[%dma_start3A_76, %dma_start3A_83] : memref<80x128xi32, #tpu.memory_space<vmem>> -> memref<1x128xi32, #tpu.memory_space<vmem>>
    %dma_start3A_85 = tpu.memref_squeeze %dma_start3A_84 : memref<1x128xi32, #tpu.memory_space<vmem>> -> memref<128xi32, #tpu.memory_space<vmem>>
    %dma_start3A_86 = arith.constant 0 : i32
    %dma_start3A_87 = arith.constant 0 : i32
    %dma_start3A_88 = tpu.memref_slice %arg10[%dma_start3A_86, %dma_start3A_87] : memref<10112x64xf32, #tpu.memory_space<vmem_shared>> -> memref<10112x64xf32, #tpu.memory_space<vmem_shared>>
    %dma_start3A_89 = tpu.memref_slice %arg12[%dma_start3A_78] : memref<2x!tpu.dma_semaphore, #tpu.memory_space<semaphore_mem>> -> memref<1x!tpu.dma_semaphore, #tpu.memory_space<semaphore_mem>>
    %dma_start3A_90 = tpu.memref_squeeze %dma_start3A_89 : memref<1x!tpu.dma_semaphore, #tpu.memory_space<semaphore_mem>> -> memref<!tpu.dma_semaphore, #tpu.memory_space<semaphore_mem>>
    tpu.enqueue_indirect_dma source(%dma_start3A_88 : memref<10112x64xf32, #tpu.memory_space<vmem_shared>>) target(%dma_start3A_82 : memref<128x64xf32, #tpu.memory_space<vmem>>) offsets(%dma_start3A_85 : memref<128xi32, #tpu.memory_space<vmem>>) semaphore(%dma_start3A_90 : memref<!tpu.dma_semaphore, #tpu.memory_space<semaphore_mem>>)
    %scan3A = arith.constant 0 : i32
    %scan3A_91 = arith.constant 40 : i32
    %scan3A_92 = arith.addi %scan3A, %scan3A_91 : i32
    %scan3A_93 = arith.constant 1 : i32
    scf.for %scan3A_126 = %scan3A to %scan3A_92 step %scan3A_93  : i32 {
      %mul3A_127 = arith.constant 2 : i32
      %mul3A_128 = arith.muli %scan3A_126, %mul3A_127 : i32
      %add3A_129 = arith.constant 0 : i32
      %add3A_130 = arith.addi %add3A_129, %mul3A_128 : i32
      %add3A_131 = arith.constant 0 : i32
      %add3A_132 = arith.addi %add3A_130, %add3A_131 : i32
      %dma_wait3A_133 = arith.constant 0 : i32
      %dma_wait3A_134 = arith.constant 0 : i32
      %dma_wait3A_135 = arith.constant 0 : i32
      %dma_wait3A_136 = arith.constant 0 : i32
      %dma_wait3A_137 = tpu.memref_slice %arg9[%dma_wait3A_133, %dma_wait3A_135, %dma_wait3A_136] : memref<2x128x64xf32, #tpu.memory_space<vmem>> -> memref<1x128x64xf32, #tpu.memory_space<vmem>>
      %dma_wait3A_138 = tpu.memref_squeeze %dma_wait3A_137 : memref<1x128x64xf32, #tpu.memory_space<vmem>> -> memref<128x64xf32, #tpu.memory_space<vmem>>
      %dma_wait3A_139 = arith.constant 0 : i32
      %dma_wait3A_140 = tpu.memref_slice %arg7[%add3A_132, %dma_wait3A_139] : memref<80x128xi32, #tpu.memory_space<vmem>> -> memref<1x128xi32, #tpu.memory_space<vmem>>
      %dma_wait3A_141 = tpu.memref_squeeze %dma_wait3A_140 : memref<1x128xi32, #tpu.memory_space<vmem>> -> memref<128xi32, #tpu.memory_space<vmem>>
      %dma_wait3A_142 = arith.constant 0 : i32
      %dma_wait3A_143 = arith.constant 0 : i32
      %dma_wait3A_144 = tpu.memref_slice %arg10[%dma_wait3A_142, %dma_wait3A_143] : memref<10112x64xf32, #tpu.memory_space<vmem_shared>> -> memref<10112x64xf32, #tpu.memory_space<vmem_shared>>
      %dma_wait3A_145 = tpu.memref_slice %arg12[%dma_wait3A_134] : memref<2x!tpu.dma_semaphore, #tpu.memory_space<semaphore_mem>> -> memref<1x!tpu.dma_semaphore, #tpu.memory_space<semaphore_mem>>
      %dma_wait3A_146 = tpu.memref_squeeze %dma_wait3A_145 : memref<1x!tpu.dma_semaphore, #tpu.memory_space<semaphore_mem>> -> memref<!tpu.dma_semaphore, #tpu.memory_space<semaphore_mem>>
      tpu.wait_indirect_dma semaphore(%dma_wait3A_146 : memref<!tpu.dma_semaphore, #tpu.memory_space<semaphore_mem>>) src(%dma_wait3A_144 : memref<10112x64xf32, #tpu.memory_space<vmem_shared>>) dst(%dma_wait3A_138 : memref<128x64xf32, #tpu.memory_space<vmem>>)
      %add3A_147 = arith.constant 0 : i32
      %add3A_148 = arith.addi %add3A_130, %add3A_147 : i32
      %dma_start3A_149 = arith.constant 0 : i32
      %dma_start3A_150 = arith.constant 0 : i32
      %dma_start3A_151 = arith.constant 0 : i32
      %dma_start3A_152 = arith.constant 0 : i32
      %dma_start3A_153 = tpu.memref_slice %arg9[%dma_start3A_149, %dma_start3A_151, %dma_start3A_152] : memref<2x128x64xf32, #tpu.memory_space<vmem>> -> memref<1x128x64xf32, #tpu.memory_space<vmem>>
      %dma_start3A_154 = tpu.memref_squeeze %dma_start3A_153 : memref<1x128x64xf32, #tpu.memory_space<vmem>> -> memref<128x64xf32, #tpu.memory_space<vmem>>
      %dma_start3A_155 = arith.constant 0 : i32
      %dma_start3A_156 = tpu.memref_slice %arg8[%add3A_148, %dma_start3A_155] : memref<80x128xi32, #tpu.memory_space<vmem>> -> memref<1x128xi32, #tpu.memory_space<vmem>>
      %dma_start3A_157 = tpu.memref_squeeze %dma_start3A_156 : memref<1x128xi32, #tpu.memory_space<vmem>> -> memref<128xi32, #tpu.memory_space<vmem>>
      %dma_start3A_158 = arith.constant 0 : i32
      %dma_start3A_159 = arith.constant 0 : i32
      %dma_start3A_160 = tpu.memref_slice %arg11[%dma_start3A_158, %dma_start3A_159] : memref<10112x64xf32, #tpu.memory_space<vmem_shared>> -> memref<10112x64xf32, #tpu.memory_space<vmem_shared>>
      %dma_start3A_161 = tpu.memref_slice %arg13[%dma_start3A_150] : memref<2x!tpu.dma_semaphore, #tpu.memory_space<semaphore_mem>> -> memref<1x!tpu.dma_semaphore, #tpu.memory_space<semaphore_mem>>
      %dma_start3A_162 = tpu.memref_squeeze %dma_start3A_161 : memref<1x!tpu.dma_semaphore, #tpu.memory_space<semaphore_mem>> -> memref<!tpu.dma_semaphore, #tpu.memory_space<semaphore_mem>>
      tpu.enqueue_indirect_dma source(%dma_start3A_154 : memref<128x64xf32, #tpu.memory_space<vmem>>) target(%dma_start3A_160 : memref<10112x64xf32, #tpu.memory_space<vmem_shared>>) offsets(%dma_start3A_157 : memref<128xi32, #tpu.memory_space<vmem>>) semaphore(%dma_start3A_162 : memref<!tpu.dma_semaphore, #tpu.memory_space<semaphore_mem>>) {add = true}
      %add3A_163 = arith.constant 1 : i32
      %add3A_164 = arith.addi %add3A_130, %add3A_163 : i32
      %dma_wait3A_165 = arith.constant 1 : i32
      %dma_wait3A_166 = arith.constant 1 : i32
      %dma_wait3A_167 = arith.constant 0 : i32
      %dma_wait3A_168 = arith.constant 0 : i32
      %dma_wait3A_169 = tpu.memref_slice %arg9[%dma_wait3A_165, %dma_wait3A_167, %dma_wait3A_168] : memref<2x128x64xf32, #tpu.memory_space<vmem>> -> memref<1x128x64xf32, #tpu.memory_space<vmem>>
      %dma_wait3A_170 = tpu.memref_squeeze %dma_wait3A_169 : memref<1x128x64xf32, #tpu.memory_space<vmem>> -> memref<128x64xf32, #tpu.memory_space<vmem>>
      %dma_wait3A_171 = arith.constant 0 : i32
      %dma_wait3A_172 = tpu.memref_slice %arg7[%add3A_164, %dma_wait3A_171] : memref<80x128xi32, #tpu.memory_space<vmem>> -> memref<1x128xi32, #tpu.memory_space<vmem>>
      %dma_wait3A_173 = tpu.memref_squeeze %dma_wait3A_172 : memref<1x128xi32, #tpu.memory_space<vmem>> -> memref<128xi32, #tpu.memory_space<vmem>>
      %dma_wait3A_174 = arith.constant 0 : i32
      %dma_wait3A_175 = arith.constant 0 : i32
      %dma_wait3A_176 = tpu.memref_slice %arg10[%dma_wait3A_174, %dma_wait3A_175] : memref<10112x64xf32, #tpu.memory_space<vmem_shared>> -> memref<10112x64xf32, #tpu.memory_space<vmem_shared>>
      %dma_wait3A_177 = tpu.memref_slice %arg12[%dma_wait3A_166] : memref<2x!tpu.dma_semaphore, #tpu.memory_space<semaphore_mem>> -> memref<1x!tpu.dma_semaphore, #tpu.memory_space<semaphore_mem>>
      %dma_wait3A_178 = tpu.memref_squeeze %dma_wait3A_177 : memref<1x!tpu.dma_semaphore, #tpu.memory_space<semaphore_mem>> -> memref<!tpu.dma_semaphore, #tpu.memory_space<semaphore_mem>>
      tpu.wait_indirect_dma semaphore(%dma_wait3A_178 : memref<!tpu.dma_semaphore, #tpu.memory_space<semaphore_mem>>) src(%dma_wait3A_176 : memref<10112x64xf32, #tpu.memory_space<vmem_shared>>) dst(%dma_wait3A_170 : memref<128x64xf32, #tpu.memory_space<vmem>>)
      %add3A_179 = arith.constant 1 : i32
      %add3A_180 = arith.addi %add3A_130, %add3A_179 : i32
      %dma_start3A_181 = arith.constant 1 : i32
      %dma_start3A_182 = arith.constant 1 : i32
      %dma_start3A_183 = arith.constant 0 : i32
      %dma_start3A_184 = arith.constant 0 : i32
      %dma_start3A_185 = tpu.memref_slice %arg9[%dma_start3A_181, %dma_start3A_183, %dma_start3A_184] : memref<2x128x64xf32, #tpu.memory_space<vmem>> -> memref<1x128x64xf32, #tpu.memory_space<vmem>>
      %dma_start3A_186 = tpu.memref_squeeze %dma_start3A_185 : memref<1x128x64xf32, #tpu.memory_space<vmem>> -> memref<128x64xf32, #tpu.memory_space<vmem>>
      %dma_start3A_187 = arith.constant 0 : i32
      %dma_start3A_188 = tpu.memref_slice %arg8[%add3A_180, %dma_start3A_187] : memref<80x128xi32, #tpu.memory_space<vmem>> -> memref<1x128xi32, #tpu.memory_space<vmem>>
      %dma_start3A_189 = tpu.memref_squeeze %dma_start3A_188 : memref<1x128xi32, #tpu.memory_space<vmem>> -> memref<128xi32, #tpu.memory_space<vmem>>
      %dma_start3A_190 = arith.constant 0 : i32
      %dma_start3A_191 = arith.constant 0 : i32
      %dma_start3A_192 = tpu.memref_slice %arg11[%dma_start3A_190, %dma_start3A_191] : memref<10112x64xf32, #tpu.memory_space<vmem_shared>> -> memref<10112x64xf32, #tpu.memory_space<vmem_shared>>
      %dma_start3A_193 = tpu.memref_slice %arg13[%dma_start3A_182] : memref<2x!tpu.dma_semaphore, #tpu.memory_space<semaphore_mem>> -> memref<1x!tpu.dma_semaphore, #tpu.memory_space<semaphore_mem>>
      %dma_start3A_194 = tpu.memref_squeeze %dma_start3A_193 : memref<1x!tpu.dma_semaphore, #tpu.memory_space<semaphore_mem>> -> memref<!tpu.dma_semaphore, #tpu.memory_space<semaphore_mem>>
      tpu.enqueue_indirect_dma source(%dma_start3A_186 : memref<128x64xf32, #tpu.memory_space<vmem>>) target(%dma_start3A_192 : memref<10112x64xf32, #tpu.memory_space<vmem_shared>>) offsets(%dma_start3A_189 : memref<128xi32, #tpu.memory_space<vmem>>) semaphore(%dma_start3A_194 : memref<!tpu.dma_semaphore, #tpu.memory_space<semaphore_mem>>) {add = true}
      %add3A_195 = arith.constant 0 : i32
      %add3A_196 = arith.addi %add3A_130, %add3A_195 : i32
      %dma_wait3A_197 = arith.constant 0 : i32
      %dma_wait3A_198 = arith.constant 0 : i32
      %dma_wait3A_199 = arith.constant 0 : i32
      %dma_wait3A_200 = arith.constant 0 : i32
      %dma_wait3A_201 = tpu.memref_slice %arg9[%dma_wait3A_197, %dma_wait3A_199, %dma_wait3A_200] : memref<2x128x64xf32, #tpu.memory_space<vmem>> -> memref<1x128x64xf32, #tpu.memory_space<vmem>>
      %dma_wait3A_202 = tpu.memref_squeeze %dma_wait3A_201 : memref<1x128x64xf32, #tpu.memory_space<vmem>> -> memref<128x64xf32, #tpu.memory_space<vmem>>
      %dma_wait3A_203 = arith.constant 0 : i32
      %dma_wait3A_204 = tpu.memref_slice %arg8[%add3A_196, %dma_wait3A_203] : memref<80x128xi32, #tpu.memory_space<vmem>> -> memref<1x128xi32, #tpu.memory_space<vmem>>
      %dma_wait3A_205 = tpu.memref_squeeze %dma_wait3A_204 : memref<1x128xi32, #tpu.memory_space<vmem>> -> memref<128xi32, #tpu.memory_space<vmem>>
      %dma_wait3A_206 = arith.constant 0 : i32
      %dma_wait3A_207 = arith.constant 0 : i32
      %dma_wait3A_208 = tpu.memref_slice %arg11[%dma_wait3A_206, %dma_wait3A_207] : memref<10112x64xf32, #tpu.memory_space<vmem_shared>> -> memref<10112x64xf32, #tpu.memory_space<vmem_shared>>
      %dma_wait3A_209 = tpu.memref_slice %arg13[%dma_wait3A_198] : memref<2x!tpu.dma_semaphore, #tpu.memory_space<semaphore_mem>> -> memref<1x!tpu.dma_semaphore, #tpu.memory_space<semaphore_mem>>
      %dma_wait3A_210 = tpu.memref_squeeze %dma_wait3A_209 : memref<1x!tpu.dma_semaphore, #tpu.memory_space<semaphore_mem>> -> memref<!tpu.dma_semaphore, #tpu.memory_space<semaphore_mem>>
      tpu.wait_indirect_dma semaphore(%dma_wait3A_210 : memref<!tpu.dma_semaphore, #tpu.memory_space<semaphore_mem>>) src(%dma_wait3A_202 : memref<128x64xf32, #tpu.memory_space<vmem>>) dst(%dma_wait3A_208 : memref<10112x64xf32, #tpu.memory_space<vmem_shared>>)
      %add3A_211 = arith.constant 2 : i32
      %add3A_212 = arith.addi %add3A_130, %add3A_211 : i32
      %add3A_213 = arith.constant 0 : i32
      %add3A_214 = arith.addi %add3A_212, %add3A_213 : i32
      %ge3A = arith.constant 80 : i32
      %ge3A_215 = arith.cmpi sge, %add3A_214, %ge3A : i32
      %add3A_216 = arith.constant 2 : i32
      %add3A_217 = arith.addi %add3A_130, %add3A_216 : i32
      %add3A_218 = arith.constant 0 : i32
      %add3A_219 = arith.addi %add3A_217, %add3A_218 : i32
      %jit3A = arith.constant 0 : i32
      %select_n3A = arith.select %ge3A_215, %jit3A, %add3A_219 : i32
      %dma_start3A_220 = arith.constant 0 : i32
      %dma_start3A_221 = arith.constant 0 : i32
      %dma_start3A_222 = arith.constant 0 : i32
      %dma_start3A_223 = arith.constant 0 : i32
      %dma_start3A_224 = tpu.memref_slice %arg9[%dma_start3A_220, %dma_start3A_222, %dma_start3A_223] : memref<2x128x64xf32, #tpu.memory_space<vmem>> -> memref<1x128x64xf32, #tpu.memory_space<vmem>>
      %dma_start3A_225 = tpu.memref_squeeze %dma_start3A_224 : memref<1x128x64xf32, #tpu.memory_space<vmem>> -> memref<128x64xf32, #tpu.memory_space<vmem>>
      %dma_start3A_226 = arith.constant 0 : i32
      %dma_start3A_227 = tpu.memref_slice %arg7[%select_n3A, %dma_start3A_226] : memref<80x128xi32, #tpu.memory_space<vmem>> -> memref<1x128xi32, #tpu.memory_space<vmem>>
      %dma_start3A_228 = tpu.memref_squeeze %dma_start3A_227 : memref<1x128xi32, #tpu.memory_space<vmem>> -> memref<128xi32, #tpu.memory_space<vmem>>
      %dma_start3A_229 = arith.constant 0 : i32
      %dma_start3A_230 = arith.constant 0 : i32
      %dma_start3A_231 = tpu.memref_slice %arg10[%dma_start3A_229, %dma_start3A_230] : memref<10112x64xf32, #tpu.memory_space<vmem_shared>> -> memref<10112x64xf32, #tpu.memory_space<vmem_shared>>
      %dma_start3A_232 = tpu.memref_slice %arg12[%dma_start3A_221] : memref<2x!tpu.dma_semaphore, #tpu.memory_space<semaphore_mem>> -> memref<1x!tpu.dma_semaphore, #tpu.memory_space<semaphore_mem>>
      %dma_start3A_233 = tpu.memref_squeeze %dma_start3A_232 : memref<1x!tpu.dma_semaphore, #tpu.memory_space<semaphore_mem>> -> memref<!tpu.dma_semaphore, #tpu.memory_space<semaphore_mem>>
      tpu.enqueue_indirect_dma source(%dma_start3A_231 : memref<10112x64xf32, #tpu.memory_space<vmem_shared>>) target(%dma_start3A_225 : memref<128x64xf32, #tpu.memory_space<vmem>>) offsets(%dma_start3A_228 : memref<128xi32, #tpu.memory_space<vmem>>) semaphore(%dma_start3A_233 : memref<!tpu.dma_semaphore, #tpu.memory_space<semaphore_mem>>)
      %add3A_234 = arith.constant 1 : i32
      %add3A_235 = arith.addi %add3A_130, %add3A_234 : i32
      %dma_wait3A_236 = arith.constant 1 : i32
      %dma_wait3A_237 = arith.constant 1 : i32
      %dma_wait3A_238 = arith.constant 0 : i32
      %dma_wait3A_239 = arith.constant 0 : i32
      %dma_wait3A_240 = tpu.memref_slice %arg9[%dma_wait3A_236, %dma_wait3A_238, %dma_wait3A_239] : memref<2x128x64xf32, #tpu.memory_space<vmem>> -> memref<1x128x64xf32, #tpu.memory_space<vmem>>
      %dma_wait3A_241 = tpu.memref_squeeze %dma_wait3A_240 : memref<1x128x64xf32, #tpu.memory_space<vmem>> -> memref<128x64xf32, #tpu.memory_space<vmem>>
      %dma_wait3A_242 = arith.constant 0 : i32
      %dma_wait3A_243 = tpu.memref_slice %arg8[%add3A_235, %dma_wait3A_242] : memref<80x128xi32, #tpu.memory_space<vmem>> -> memref<1x128xi32, #tpu.memory_space<vmem>>
      %dma_wait3A_244 = tpu.memref_squeeze %dma_wait3A_243 : memref<1x128xi32, #tpu.memory_space<vmem>> -> memref<128xi32, #tpu.memory_space<vmem>>
      %dma_wait3A_245 = arith.constant 0 : i32
      %dma_wait3A_246 = arith.constant 0 : i32
      %dma_wait3A_247 = tpu.memref_slice %arg11[%dma_wait3A_245, %dma_wait3A_246] : memref<10112x64xf32, #tpu.memory_space<vmem_shared>> -> memref<10112x64xf32, #tpu.memory_space<vmem_shared>>
      %dma_wait3A_248 = tpu.memref_slice %arg13[%dma_wait3A_237] : memref<2x!tpu.dma_semaphore, #tpu.memory_space<semaphore_mem>> -> memref<1x!tpu.dma_semaphore, #tpu.memory_space<semaphore_mem>>
      %dma_wait3A_249 = tpu.memref_squeeze %dma_wait3A_248 : memref<1x!tpu.dma_semaphore, #tpu.memory_space<semaphore_mem>> -> memref<!tpu.dma_semaphore, #tpu.memory_space<semaphore_mem>>
      tpu.wait_indirect_dma semaphore(%dma_wait3A_249 : memref<!tpu.dma_semaphore, #tpu.memory_space<semaphore_mem>>) src(%dma_wait3A_241 : memref<128x64xf32, #tpu.memory_space<vmem>>) dst(%dma_wait3A_247 : memref<10112x64xf32, #tpu.memory_space<vmem_shared>>)
      %add3A_250 = arith.constant 2 : i32
      %add3A_251 = arith.addi %add3A_130, %add3A_250 : i32
      %add3A_252 = arith.constant 1 : i32
      %add3A_253 = arith.addi %add3A_251, %add3A_252 : i32
      %ge3A_254 = arith.constant 80 : i32
      %ge3A_255 = arith.cmpi sge, %add3A_253, %ge3A_254 : i32
      %add3A_256 = arith.constant 2 : i32
      %add3A_257 = arith.addi %add3A_130, %add3A_256 : i32
      %add3A_258 = arith.constant 1 : i32
      %add3A_259 = arith.addi %add3A_257, %add3A_258 : i32
      %jit3A_260 = arith.constant 1 : i32
      %select_n3A_261 = arith.select %ge3A_255, %jit3A_260, %add3A_259 : i32
      %dma_start3A_262 = arith.constant 1 : i32
      %dma_start3A_263 = arith.constant 1 : i32
      %dma_start3A_264 = arith.constant 0 : i32
      %dma_start3A_265 = arith.constant 0 : i32
      %dma_start3A_266 = tpu.memref_slice %arg9[%dma_start3A_262, %dma_start3A_264, %dma_start3A_265] : memref<2x128x64xf32, #tpu.memory_space<vmem>> -> memref<1x128x64xf32, #tpu.memory_space<vmem>>
      %dma_start3A_267 = tpu.memref_squeeze %dma_start3A_266 : memref<1x128x64xf32, #tpu.memory_space<vmem>> -> memref<128x64xf32, #tpu.memory_space<vmem>>
      %dma_start3A_268 = arith.constant 0 : i32
      %dma_start3A_269 = tpu.memref_slice %arg7[%select_n3A_261, %dma_start3A_268] : memref<80x128xi32, #tpu.memory_space<vmem>> -> memref<1x128xi32, #tpu.memory_space<vmem>>
      %dma_start3A_270 = tpu.memref_squeeze %dma_start3A_269 : memref<1x128xi32, #tpu.memory_space<vmem>> -> memref<128xi32, #tpu.memory_space<vmem>>
      %dma_start3A_271 = arith.constant 0 : i32
      %dma_start3A_272 = arith.constant 0 : i32
      %dma_start3A_273 = tpu.memref_slice %arg10[%dma_start3A_271, %dma_start3A_272] : memref<10112x64xf32, #tpu.memory_space<vmem_shared>> -> memref<10112x64xf32, #tpu.memory_space<vmem_shared>>
      %dma_start3A_274 = tpu.memref_slice %arg12[%dma_start3A_263] : memref<2x!tpu.dma_semaphore, #tpu.memory_space<semaphore_mem>> -> memref<1x!tpu.dma_semaphore, #tpu.memory_space<semaphore_mem>>
      %dma_start3A_275 = tpu.memref_squeeze %dma_start3A_274 : memref<1x!tpu.dma_semaphore, #tpu.memory_space<semaphore_mem>> -> memref<!tpu.dma_semaphore, #tpu.memory_space<semaphore_mem>>
      tpu.enqueue_indirect_dma source(%dma_start3A_273 : memref<10112x64xf32, #tpu.memory_space<vmem_shared>>) target(%dma_start3A_267 : memref<128x64xf32, #tpu.memory_space<vmem>>) offsets(%dma_start3A_270 : memref<128xi32, #tpu.memory_space<vmem>>) semaphore(%dma_start3A_275 : memref<!tpu.dma_semaphore, #tpu.memory_space<semaphore_mem>>)
    }
    %scan3A_94 = arith.constant 40 : i32
    %dma_wait3A_95 = arith.constant 0 : i32
    %dma_wait3A_96 = arith.constant 0 : i32
    %dma_wait3A_97 = arith.constant 0 : i32
    %dma_wait3A_98 = arith.constant 0 : i32
    %dma_wait3A_99 = arith.constant 0 : i32
    %dma_wait3A_100 = tpu.memref_slice %arg9[%dma_wait3A_96, %dma_wait3A_98, %dma_wait3A_99] : memref<2x128x64xf32, #tpu.memory_space<vmem>> -> memref<1x128x64xf32, #tpu.memory_space<vmem>>
    %dma_wait3A_101 = tpu.memref_squeeze %dma_wait3A_100 : memref<1x128x64xf32, #tpu.memory_space<vmem>> -> memref<128x64xf32, #tpu.memory_space<vmem>>
    %dma_wait3A_102 = arith.constant 0 : i32
    %dma_wait3A_103 = tpu.memref_slice %arg7[%dma_wait3A_95, %dma_wait3A_102] : memref<80x128xi32, #tpu.memory_space<vmem>> -> memref<1x128xi32, #tpu.memory_space<vmem>>
    %dma_wait3A_104 = tpu.memref_squeeze %dma_wait3A_103 : memref<1x128xi32, #tpu.memory_space<vmem>> -> memref<128xi32, #tpu.memory_space<vmem>>
    %dma_wait3A_105 = arith.constant 0 : i32
    %dma_wait3A_106 = arith.constant 0 : i32
    %dma_wait3A_107 = tpu.memref_slice %arg10[%dma_wait3A_105, %dma_wait3A_106] : memref<10112x64xf32, #tpu.memory_space<vmem_shared>> -> memref<10112x64xf32, #tpu.memory_space<vmem_shared>>
    %dma_wait3A_108 = tpu.memref_slice %arg12[%dma_wait3A_97] : memref<2x!tpu.dma_semaphore, #tpu.memory_space<semaphore_mem>> -> memref<1x!tpu.dma_semaphore, #tpu.memory_space<semaphore_mem>>
    %dma_wait3A_109 = tpu.memref_squeeze %dma_wait3A_108 : memref<1x!tpu.dma_semaphore, #tpu.memory_space<semaphore_mem>> -> memref<!tpu.dma_semaphore, #tpu.memory_space<semaphore_mem>>
    tpu.wait_indirect_dma semaphore(%dma_wait3A_109 : memref<!tpu.dma_semaphore, #tpu.memory_space<semaphore_mem>>) src(%dma_wait3A_107 : memref<10112x64xf32, #tpu.memory_space<vmem_shared>>) dst(%dma_wait3A_101 : memref<128x64xf32, #tpu.memory_space<vmem>>)
    %dma_wait3A_110 = arith.constant 1 : i32
    %dma_wait3A_111 = arith.constant 1 : i32
    %dma_wait3A_112 = arith.constant 1 : i32
    %dma_wait3A_113 = arith.constant 0 : i32
    %dma_wait3A_114 = arith.constant 0 : i32
    %dma_wait3A_115 = tpu.memref_slice %arg9[%dma_wait3A_111, %dma_wait3A_113, %dma_wait3A_114] : memref<2x128x64xf32, #tpu.memory_space<vmem>> -> memref<1x128x64xf32, #tpu.memory_space<vmem>>
    %dma_wait3A_116 = tpu.memref_squeeze %dma_wait3A_115 : memref<1x128x64xf32, #tpu.memory_space<vmem>> -> memref<128x64xf32, #tpu.memory_space<vmem>>
    %dma_wait3A_117 = arith.constant 0 : i32
    %dma_wait3A_118 = tpu.memref_slice %arg7[%dma_wait3A_110, %dma_wait3A_117] : memref<80x128xi32, #tpu.memory_space<vmem>> -> memref<1x128xi32, #tpu.memory_space<vmem>>
    %dma_wait3A_119 = tpu.memref_squeeze %dma_wait3A_118 : memref<1x128xi32, #tpu.memory_space<vmem>> -> memref<128xi32, #tpu.memory_space<vmem>>
    %dma_wait3A_120 = arith.constant 0 : i32
    %dma_wait3A_121 = arith.constant 0 : i32
    %dma_wait3A_122 = tpu.memref_slice %arg10[%dma_wait3A_120, %dma_wait3A_121] : memref<10112x64xf32, #tpu.memory_space<vmem_shared>> -> memref<10112x64xf32, #tpu.memory_space<vmem_shared>>
    %dma_wait3A_123 = tpu.memref_slice %arg12[%dma_wait3A_112] : memref<2x!tpu.dma_semaphore, #tpu.memory_space<semaphore_mem>> -> memref<1x!tpu.dma_semaphore, #tpu.memory_space<semaphore_mem>>
    %dma_wait3A_124 = tpu.memref_squeeze %dma_wait3A_123 : memref<1x!tpu.dma_semaphore, #tpu.memory_space<semaphore_mem>> -> memref<!tpu.dma_semaphore, #tpu.memory_space<semaphore_mem>>
    tpu.wait_indirect_dma semaphore(%dma_wait3A_124 : memref<!tpu.dma_semaphore, #tpu.memory_space<semaphore_mem>>) src(%dma_wait3A_122 : memref<10112x64xf32, #tpu.memory_space<vmem_shared>>) dst(%dma_wait3A_116 : memref<128x64xf32, #tpu.memory_space<vmem>>)
    %barrier3A_125 = arith.constant 0 : index
    tpu.barrier barrier_id(%barrier3A_125)
    "tpu.region"() ({
      %run_scoped3A = tpu.sem_alloc : memref<!tpu.dma_semaphore, #tpu.memory_space<semaphore_mem>>
      %dma_start3A_126 = arith.constant 0 : i32
      %dma_start3A_127 = tpu.memref_slice %arg6[%arg0, %mul3A_2, %dma_start3A_126] : memref<2x10112x64xf32, #tpu.memory_space<hbm>> -> memref<1x632x64xf32, #tpu.memory_space<hbm>>
      %dma_start3A_128 = tpu.memref_squeeze %dma_start3A_127 : memref<1x632x64xf32, #tpu.memory_space<hbm>> -> memref<632x64xf32, #tpu.memory_space<hbm>>
      %dma_start3A_129 = arith.constant 0 : i32
      %dma_start3A_130 = tpu.memref_slice %arg11[%mul3A_2, %dma_start3A_129] : memref<10112x64xf32, #tpu.memory_space<vmem_shared>> -> memref<632x64xf32, #tpu.memory_space<vmem_shared>>
      tpu.enqueue_dma source(%dma_start3A_130 : memref<632x64xf32, #tpu.memory_space<vmem_shared>>) target(%dma_start3A_128 : memref<632x64xf32, #tpu.memory_space<hbm>>) target_semaphore(%run_scoped3A : memref<!tpu.dma_semaphore, #tpu.memory_space<semaphore_mem>>)
      %dma_wait3A_131 = arith.constant 0 : i32
      %dma_wait3A_132 = tpu.memref_slice %arg6[%arg0, %mul3A_2, %dma_wait3A_131] : memref<2x10112x64xf32, #tpu.memory_space<hbm>> -> memref<1x632x64xf32, #tpu.memory_space<hbm>>
      %dma_wait3A_133 = tpu.memref_squeeze %dma_wait3A_132 : memref<1x632x64xf32, #tpu.memory_space<hbm>> -> memref<632x64xf32, #tpu.memory_space<hbm>>
      %dma_wait3A_134 = arith.constant 0 : i32
      %dma_wait3A_135 = tpu.memref_slice %arg11[%mul3A_2, %dma_wait3A_134] : memref<10112x64xf32, #tpu.memory_space<vmem_shared>> -> memref<632x64xf32, #tpu.memory_space<vmem_shared>>
      tpu.wait_dma2 semaphore(%run_scoped3A : memref<!tpu.dma_semaphore, #tpu.memory_space<semaphore_mem>>) src(%dma_wait3A_135 : memref<632x64xf32, #tpu.memory_space<vmem_shared>>) dst(%dma_wait3A_133 : memref<632x64xf32, #tpu.memory_space<hbm>>)
      tpu.yield
    }) : () -> ()
    return
  }
}

#map = affine_map<(d0, d1) -> (0, 0)>
#map1 = affine_map<(d0, d1) -> (0, 0, 0)>
module attributes {stable_mosaic.version = 14 : i64} {
  func.func @_agg_body(%arg0: i32, %arg1: i32, %arg2: memref<10112x16xf32, #tpu.memory_space<hbm>>, %arg3: memref<2560x128xi32, #tpu.memory_space<hbm>>, %arg4: memref<2560x128xi32, #tpu.memory_space<hbm>>, %arg5: memref<10112x16xf32, #tpu.memory_space<hbm>>, %arg6: memref<2x10112x16xf32, #tpu.memory_space<hbm>>, %arg7: memref<80x128xi32, #tpu.memory_space<vmem>>, %arg8: memref<80x128xi32, #tpu.memory_space<vmem>>, %arg9: memref<2x128x16xf32, #tpu.memory_space<vmem>>, %arg10: memref<10112x16xf32, #tpu.memory_space<vmem_shared>>, %arg11: memref<10112x16xf32, #tpu.memory_space<vmem_shared>>, %arg12: memref<2x!tpu.dma_semaphore, #tpu.memory_space<semaphore_mem>>, %arg13: memref<2x!tpu.dma_semaphore, #tpu.memory_space<semaphore_mem>>) attributes {dimension_semantics = [#tpu.dimension_semantics<core_parallel>, #tpu.dimension_semantics<subcore_parallel>], iteration_bounds = array<i64: 2, 16>, scalar_prefetch = 0 : i64, scratch_operands = 7 : i64, tpu.core_type = #tpu.core_type<sc_vector_subcore>, window_params = [{transform_indices = #map}, {transform_indices = #map}, {transform_indices = #map}, {transform_indices = #map}, {transform_indices = #map1}]} {
    %mul3A = arith.constant 16 : i32
    %mul3A_0 = arith.muli %arg0, %mul3A : i32
    %add3A = arith.addi %mul3A_0, %arg1 : i32
    %mul3A_1 = arith.constant 632 : i32
    %mul3A_2 = arith.muli %arg1, %mul3A_1 : i32
    %dma_start3A = arith.constant 0 : i32
    %dma_start3A_3 = tpu.memref_slice %arg12[%dma_start3A] : memref<2x!tpu.dma_semaphore, #tpu.memory_space<semaphore_mem>> -> memref<1x!tpu.dma_semaphore, #tpu.memory_space<semaphore_mem>>
    %dma_start3A_4 = tpu.memref_squeeze %dma_start3A_3 : memref<1x!tpu.dma_semaphore, #tpu.memory_space<semaphore_mem>> -> memref<!tpu.dma_semaphore, #tpu.memory_space<semaphore_mem>>
    %dma_start3A_5 = arith.constant 0 : i32
    %dma_start3A_6 = tpu.memref_slice %arg10[%mul3A_2, %dma_start3A_5] : memref<10112x16xf32, #tpu.memory_space<vmem_shared>> -> memref<632x16xf32, #tpu.memory_space<vmem_shared>>
    %dma_start3A_7 = arith.constant 0 : i32
    %dma_start3A_8 = tpu.memref_slice %arg2[%mul3A_2, %dma_start3A_7] : memref<10112x16xf32, #tpu.memory_space<hbm>> -> memref<632x16xf32, #tpu.memory_space<hbm>>
    tpu.enqueue_dma source(%dma_start3A_8 : memref<632x16xf32, #tpu.memory_space<hbm>>) target(%dma_start3A_6 : memref<632x16xf32, #tpu.memory_space<vmem_shared>>) target_semaphore(%dma_start3A_4 : memref<!tpu.dma_semaphore, #tpu.memory_space<semaphore_mem>>)
    %dma_start3A_9 = arith.constant 1 : i32
    %dma_start3A_10 = tpu.memref_slice %arg12[%dma_start3A_9] : memref<2x!tpu.dma_semaphore, #tpu.memory_space<semaphore_mem>> -> memref<1x!tpu.dma_semaphore, #tpu.memory_space<semaphore_mem>>
    %dma_start3A_11 = tpu.memref_squeeze %dma_start3A_10 : memref<1x!tpu.dma_semaphore, #tpu.memory_space<semaphore_mem>> -> memref<!tpu.dma_semaphore, #tpu.memory_space<semaphore_mem>>
    %dma_start3A_12 = arith.constant 0 : i32
    %dma_start3A_13 = tpu.memref_slice %arg11[%mul3A_2, %dma_start3A_12] : memref<10112x16xf32, #tpu.memory_space<vmem_shared>> -> memref<632x16xf32, #tpu.memory_space<vmem_shared>>
    %dma_start3A_14 = arith.constant 0 : i32
    %dma_start3A_15 = tpu.memref_slice %arg5[%mul3A_2, %dma_start3A_14] : memref<10112x16xf32, #tpu.memory_space<hbm>> -> memref<632x16xf32, #tpu.memory_space<hbm>>
    tpu.enqueue_dma source(%dma_start3A_15 : memref<632x16xf32, #tpu.memory_space<hbm>>) target(%dma_start3A_13 : memref<632x16xf32, #tpu.memory_space<vmem_shared>>) target_semaphore(%dma_start3A_11 : memref<!tpu.dma_semaphore, #tpu.memory_space<semaphore_mem>>)
    %mul3A_16 = arith.constant 80 : i32
    %mul3A_17 = arith.muli %add3A, %mul3A_16 : i32
    %dma_start3A_18 = arith.constant 0 : i32
    %dma_start3A_19 = arith.constant 0 : i32
    %dma_start3A_20 = tpu.memref_slice %arg3[%mul3A_17, %dma_start3A_19] : memref<2560x128xi32, #tpu.memory_space<hbm>> -> memref<80x128xi32, #tpu.memory_space<hbm>>
    %dma_start3A_21 = tpu.memref_slice %arg13[%dma_start3A_18] : memref<2x!tpu.dma_semaphore, #tpu.memory_space<semaphore_mem>> -> memref<1x!tpu.dma_semaphore, #tpu.memory_space<semaphore_mem>>
    %dma_start3A_22 = tpu.memref_squeeze %dma_start3A_21 : memref<1x!tpu.dma_semaphore, #tpu.memory_space<semaphore_mem>> -> memref<!tpu.dma_semaphore, #tpu.memory_space<semaphore_mem>>
    %dma_start3A_23 = arith.constant 0 : i32
    %dma_start3A_24 = tpu.memref_slice %arg3[%mul3A_17, %dma_start3A_23] : memref<2560x128xi32, #tpu.memory_space<hbm>> -> memref<80x128xi32, #tpu.memory_space<hbm>>
    tpu.enqueue_dma source(%dma_start3A_24 : memref<80x128xi32, #tpu.memory_space<hbm>>) target(%arg7 : memref<80x128xi32, #tpu.memory_space<vmem>>) target_semaphore(%dma_start3A_22 : memref<!tpu.dma_semaphore, #tpu.memory_space<semaphore_mem>>)
    %mul3A_25 = arith.constant 80 : i32
    %mul3A_26 = arith.muli %add3A, %mul3A_25 : i32
    %dma_start3A_27 = arith.constant 1 : i32
    %dma_start3A_28 = arith.constant 0 : i32
    %dma_start3A_29 = tpu.memref_slice %arg4[%mul3A_26, %dma_start3A_28] : memref<2560x128xi32, #tpu.memory_space<hbm>> -> memref<80x128xi32, #tpu.memory_space<hbm>>
    %dma_start3A_30 = tpu.memref_slice %arg13[%dma_start3A_27] : memref<2x!tpu.dma_semaphore, #tpu.memory_space<semaphore_mem>> -> memref<1x!tpu.dma_semaphore, #tpu.memory_space<semaphore_mem>>
    %dma_start3A_31 = tpu.memref_squeeze %dma_start3A_30 : memref<1x!tpu.dma_semaphore, #tpu.memory_space<semaphore_mem>> -> memref<!tpu.dma_semaphore, #tpu.memory_space<semaphore_mem>>
    %dma_start3A_32 = arith.constant 0 : i32
    %dma_start3A_33 = tpu.memref_slice %arg4[%mul3A_26, %dma_start3A_32] : memref<2560x128xi32, #tpu.memory_space<hbm>> -> memref<80x128xi32, #tpu.memory_space<hbm>>
    tpu.enqueue_dma source(%dma_start3A_33 : memref<80x128xi32, #tpu.memory_space<hbm>>) target(%arg8 : memref<80x128xi32, #tpu.memory_space<vmem>>) target_semaphore(%dma_start3A_31 : memref<!tpu.dma_semaphore, #tpu.memory_space<semaphore_mem>>)
    %dma_wait3A = arith.constant 0 : i32
    %dma_wait3A_34 = tpu.memref_slice %arg12[%dma_wait3A] : memref<2x!tpu.dma_semaphore, #tpu.memory_space<semaphore_mem>> -> memref<1x!tpu.dma_semaphore, #tpu.memory_space<semaphore_mem>>
    %dma_wait3A_35 = tpu.memref_squeeze %dma_wait3A_34 : memref<1x!tpu.dma_semaphore, #tpu.memory_space<semaphore_mem>> -> memref<!tpu.dma_semaphore, #tpu.memory_space<semaphore_mem>>
    %dma_wait3A_36 = arith.constant 0 : i32
    %dma_wait3A_37 = tpu.memref_slice %arg10[%mul3A_2, %dma_wait3A_36] : memref<10112x16xf32, #tpu.memory_space<vmem_shared>> -> memref<632x16xf32, #tpu.memory_space<vmem_shared>>
    %dma_wait3A_38 = arith.constant 0 : i32
    %dma_wait3A_39 = tpu.memref_slice %arg2[%mul3A_2, %dma_wait3A_38] : memref<10112x16xf32, #tpu.memory_space<hbm>> -> memref<632x16xf32, #tpu.memory_space<hbm>>
    tpu.wait_dma2 semaphore(%dma_wait3A_35 : memref<!tpu.dma_semaphore, #tpu.memory_space<semaphore_mem>>) src(%dma_wait3A_39 : memref<632x16xf32, #tpu.memory_space<hbm>>) dst(%dma_wait3A_37 : memref<632x16xf32, #tpu.memory_space<vmem_shared>>)
    %dma_wait3A_40 = arith.constant 1 : i32
    %dma_wait3A_41 = tpu.memref_slice %arg12[%dma_wait3A_40] : memref<2x!tpu.dma_semaphore, #tpu.memory_space<semaphore_mem>> -> memref<1x!tpu.dma_semaphore, #tpu.memory_space<semaphore_mem>>
    %dma_wait3A_42 = tpu.memref_squeeze %dma_wait3A_41 : memref<1x!tpu.dma_semaphore, #tpu.memory_space<semaphore_mem>> -> memref<!tpu.dma_semaphore, #tpu.memory_space<semaphore_mem>>
    %dma_wait3A_43 = arith.constant 0 : i32
    %dma_wait3A_44 = tpu.memref_slice %arg11[%mul3A_2, %dma_wait3A_43] : memref<10112x16xf32, #tpu.memory_space<vmem_shared>> -> memref<632x16xf32, #tpu.memory_space<vmem_shared>>
    %dma_wait3A_45 = arith.constant 0 : i32
    %dma_wait3A_46 = tpu.memref_slice %arg5[%mul3A_2, %dma_wait3A_45] : memref<10112x16xf32, #tpu.memory_space<hbm>> -> memref<632x16xf32, #tpu.memory_space<hbm>>
    tpu.wait_dma2 semaphore(%dma_wait3A_42 : memref<!tpu.dma_semaphore, #tpu.memory_space<semaphore_mem>>) src(%dma_wait3A_46 : memref<632x16xf32, #tpu.memory_space<hbm>>) dst(%dma_wait3A_44 : memref<632x16xf32, #tpu.memory_space<vmem_shared>>)
    %dma_wait3A_47 = arith.constant 0 : i32
    %dma_wait3A_48 = arith.constant 0 : i32
    %dma_wait3A_49 = tpu.memref_slice %arg3[%mul3A_17, %dma_wait3A_48] : memref<2560x128xi32, #tpu.memory_space<hbm>> -> memref<80x128xi32, #tpu.memory_space<hbm>>
    %dma_wait3A_50 = tpu.memref_slice %arg13[%dma_wait3A_47] : memref<2x!tpu.dma_semaphore, #tpu.memory_space<semaphore_mem>> -> memref<1x!tpu.dma_semaphore, #tpu.memory_space<semaphore_mem>>
    %dma_wait3A_51 = tpu.memref_squeeze %dma_wait3A_50 : memref<1x!tpu.dma_semaphore, #tpu.memory_space<semaphore_mem>> -> memref<!tpu.dma_semaphore, #tpu.memory_space<semaphore_mem>>
    %dma_wait3A_52 = arith.constant 0 : i32
    %dma_wait3A_53 = tpu.memref_slice %arg3[%mul3A_17, %dma_wait3A_52] : memref<2560x128xi32, #tpu.memory_space<hbm>> -> memref<80x128xi32, #tpu.memory_space<hbm>>
    tpu.wait_dma2 semaphore(%dma_wait3A_51 : memref<!tpu.dma_semaphore, #tpu.memory_space<semaphore_mem>>) src(%dma_wait3A_53 : memref<80x128xi32, #tpu.memory_space<hbm>>) dst(%arg7 : memref<80x128xi32, #tpu.memory_space<vmem>>)
    %dma_wait3A_54 = arith.constant 1 : i32
    %dma_wait3A_55 = arith.constant 0 : i32
    %dma_wait3A_56 = tpu.memref_slice %arg4[%mul3A_26, %dma_wait3A_55] : memref<2560x128xi32, #tpu.memory_space<hbm>> -> memref<80x128xi32, #tpu.memory_space<hbm>>
    %dma_wait3A_57 = tpu.memref_slice %arg13[%dma_wait3A_54] : memref<2x!tpu.dma_semaphore, #tpu.memory_space<semaphore_mem>> -> memref<1x!tpu.dma_semaphore, #tpu.memory_space<semaphore_mem>>
    %dma_wait3A_58 = tpu.memref_squeeze %dma_wait3A_57 : memref<1x!tpu.dma_semaphore, #tpu.memory_space<semaphore_mem>> -> memref<!tpu.dma_semaphore, #tpu.memory_space<semaphore_mem>>
    %dma_wait3A_59 = arith.constant 0 : i32
    %dma_wait3A_60 = tpu.memref_slice %arg4[%mul3A_26, %dma_wait3A_59] : memref<2560x128xi32, #tpu.memory_space<hbm>> -> memref<80x128xi32, #tpu.memory_space<hbm>>
    tpu.wait_dma2 semaphore(%dma_wait3A_58 : memref<!tpu.dma_semaphore, #tpu.memory_space<semaphore_mem>>) src(%dma_wait3A_60 : memref<80x128xi32, #tpu.memory_space<hbm>>) dst(%arg8 : memref<80x128xi32, #tpu.memory_space<vmem>>)
    %barrier3A = arith.constant 0 : index
    tpu.barrier barrier_id(%barrier3A)
    %dma_start3A_61 = arith.constant 0 : i32
    %dma_start3A_62 = arith.constant 0 : i32
    %dma_start3A_63 = arith.constant 0 : i32
    %dma_start3A_64 = arith.constant 0 : i32
    %dma_start3A_65 = arith.constant 0 : i32
    %dma_start3A_66 = tpu.memref_slice %arg9[%dma_start3A_62, %dma_start3A_64, %dma_start3A_65] : memref<2x128x16xf32, #tpu.memory_space<vmem>> -> memref<1x128x16xf32, #tpu.memory_space<vmem>>
    %dma_start3A_67 = tpu.memref_squeeze %dma_start3A_66 : memref<1x128x16xf32, #tpu.memory_space<vmem>> -> memref<128x16xf32, #tpu.memory_space<vmem>>
    %dma_start3A_68 = arith.constant 0 : i32
    %dma_start3A_69 = tpu.memref_slice %arg7[%dma_start3A_61, %dma_start3A_68] : memref<80x128xi32, #tpu.memory_space<vmem>> -> memref<1x128xi32, #tpu.memory_space<vmem>>
    %dma_start3A_70 = tpu.memref_squeeze %dma_start3A_69 : memref<1x128xi32, #tpu.memory_space<vmem>> -> memref<128xi32, #tpu.memory_space<vmem>>
    %dma_start3A_71 = arith.constant 0 : i32
    %dma_start3A_72 = arith.constant 0 : i32
    %dma_start3A_73 = tpu.memref_slice %arg10[%dma_start3A_71, %dma_start3A_72] : memref<10112x16xf32, #tpu.memory_space<vmem_shared>> -> memref<10112x16xf32, #tpu.memory_space<vmem_shared>>
    %dma_start3A_74 = tpu.memref_slice %arg12[%dma_start3A_63] : memref<2x!tpu.dma_semaphore, #tpu.memory_space<semaphore_mem>> -> memref<1x!tpu.dma_semaphore, #tpu.memory_space<semaphore_mem>>
    %dma_start3A_75 = tpu.memref_squeeze %dma_start3A_74 : memref<1x!tpu.dma_semaphore, #tpu.memory_space<semaphore_mem>> -> memref<!tpu.dma_semaphore, #tpu.memory_space<semaphore_mem>>
    tpu.enqueue_indirect_dma source(%dma_start3A_73 : memref<10112x16xf32, #tpu.memory_space<vmem_shared>>) target(%dma_start3A_67 : memref<128x16xf32, #tpu.memory_space<vmem>>) offsets(%dma_start3A_70 : memref<128xi32, #tpu.memory_space<vmem>>) semaphore(%dma_start3A_75 : memref<!tpu.dma_semaphore, #tpu.memory_space<semaphore_mem>>)
    %dma_start3A_76 = arith.constant 1 : i32
    %dma_start3A_77 = arith.constant 1 : i32
    %dma_start3A_78 = arith.constant 1 : i32
    %dma_start3A_79 = arith.constant 0 : i32
    %dma_start3A_80 = arith.constant 0 : i32
    %dma_start3A_81 = tpu.memref_slice %arg9[%dma_start3A_77, %dma_start3A_79, %dma_start3A_80] : memref<2x128x16xf32, #tpu.memory_space<vmem>> -> memref<1x128x16xf32, #tpu.memory_space<vmem>>
    %dma_start3A_82 = tpu.memref_squeeze %dma_start3A_81 : memref<1x128x16xf32, #tpu.memory_space<vmem>> -> memref<128x16xf32, #tpu.memory_space<vmem>>
    %dma_start3A_83 = arith.constant 0 : i32
    %dma_start3A_84 = tpu.memref_slice %arg7[%dma_start3A_76, %dma_start3A_83] : memref<80x128xi32, #tpu.memory_space<vmem>> -> memref<1x128xi32, #tpu.memory_space<vmem>>
    %dma_start3A_85 = tpu.memref_squeeze %dma_start3A_84 : memref<1x128xi32, #tpu.memory_space<vmem>> -> memref<128xi32, #tpu.memory_space<vmem>>
    %dma_start3A_86 = arith.constant 0 : i32
    %dma_start3A_87 = arith.constant 0 : i32
    %dma_start3A_88 = tpu.memref_slice %arg10[%dma_start3A_86, %dma_start3A_87] : memref<10112x16xf32, #tpu.memory_space<vmem_shared>> -> memref<10112x16xf32, #tpu.memory_space<vmem_shared>>
    %dma_start3A_89 = tpu.memref_slice %arg12[%dma_start3A_78] : memref<2x!tpu.dma_semaphore, #tpu.memory_space<semaphore_mem>> -> memref<1x!tpu.dma_semaphore, #tpu.memory_space<semaphore_mem>>
    %dma_start3A_90 = tpu.memref_squeeze %dma_start3A_89 : memref<1x!tpu.dma_semaphore, #tpu.memory_space<semaphore_mem>> -> memref<!tpu.dma_semaphore, #tpu.memory_space<semaphore_mem>>
    tpu.enqueue_indirect_dma source(%dma_start3A_88 : memref<10112x16xf32, #tpu.memory_space<vmem_shared>>) target(%dma_start3A_82 : memref<128x16xf32, #tpu.memory_space<vmem>>) offsets(%dma_start3A_85 : memref<128xi32, #tpu.memory_space<vmem>>) semaphore(%dma_start3A_90 : memref<!tpu.dma_semaphore, #tpu.memory_space<semaphore_mem>>)
    %scan3A = arith.constant 0 : i32
    %scan3A_91 = arith.constant 40 : i32
    %scan3A_92 = arith.addi %scan3A, %scan3A_91 : i32
    %scan3A_93 = arith.constant 1 : i32
    scf.for %scan3A_126 = %scan3A to %scan3A_92 step %scan3A_93  : i32 {
      %mul3A_127 = arith.constant 2 : i32
      %mul3A_128 = arith.muli %scan3A_126, %mul3A_127 : i32
      %add3A_129 = arith.constant 0 : i32
      %add3A_130 = arith.addi %add3A_129, %mul3A_128 : i32
      %add3A_131 = arith.constant 0 : i32
      %add3A_132 = arith.addi %add3A_130, %add3A_131 : i32
      %dma_wait3A_133 = arith.constant 0 : i32
      %dma_wait3A_134 = arith.constant 0 : i32
      %dma_wait3A_135 = arith.constant 0 : i32
      %dma_wait3A_136 = arith.constant 0 : i32
      %dma_wait3A_137 = tpu.memref_slice %arg9[%dma_wait3A_133, %dma_wait3A_135, %dma_wait3A_136] : memref<2x128x16xf32, #tpu.memory_space<vmem>> -> memref<1x128x16xf32, #tpu.memory_space<vmem>>
      %dma_wait3A_138 = tpu.memref_squeeze %dma_wait3A_137 : memref<1x128x16xf32, #tpu.memory_space<vmem>> -> memref<128x16xf32, #tpu.memory_space<vmem>>
      %dma_wait3A_139 = arith.constant 0 : i32
      %dma_wait3A_140 = tpu.memref_slice %arg7[%add3A_132, %dma_wait3A_139] : memref<80x128xi32, #tpu.memory_space<vmem>> -> memref<1x128xi32, #tpu.memory_space<vmem>>
      %dma_wait3A_141 = tpu.memref_squeeze %dma_wait3A_140 : memref<1x128xi32, #tpu.memory_space<vmem>> -> memref<128xi32, #tpu.memory_space<vmem>>
      %dma_wait3A_142 = arith.constant 0 : i32
      %dma_wait3A_143 = arith.constant 0 : i32
      %dma_wait3A_144 = tpu.memref_slice %arg10[%dma_wait3A_142, %dma_wait3A_143] : memref<10112x16xf32, #tpu.memory_space<vmem_shared>> -> memref<10112x16xf32, #tpu.memory_space<vmem_shared>>
      %dma_wait3A_145 = tpu.memref_slice %arg12[%dma_wait3A_134] : memref<2x!tpu.dma_semaphore, #tpu.memory_space<semaphore_mem>> -> memref<1x!tpu.dma_semaphore, #tpu.memory_space<semaphore_mem>>
      %dma_wait3A_146 = tpu.memref_squeeze %dma_wait3A_145 : memref<1x!tpu.dma_semaphore, #tpu.memory_space<semaphore_mem>> -> memref<!tpu.dma_semaphore, #tpu.memory_space<semaphore_mem>>
      tpu.wait_indirect_dma semaphore(%dma_wait3A_146 : memref<!tpu.dma_semaphore, #tpu.memory_space<semaphore_mem>>) src(%dma_wait3A_144 : memref<10112x16xf32, #tpu.memory_space<vmem_shared>>) dst(%dma_wait3A_138 : memref<128x16xf32, #tpu.memory_space<vmem>>)
      %add3A_147 = arith.constant 0 : i32
      %add3A_148 = arith.addi %add3A_130, %add3A_147 : i32
      %dma_start3A_149 = arith.constant 0 : i32
      %dma_start3A_150 = arith.constant 0 : i32
      %dma_start3A_151 = arith.constant 0 : i32
      %dma_start3A_152 = arith.constant 0 : i32
      %dma_start3A_153 = tpu.memref_slice %arg9[%dma_start3A_149, %dma_start3A_151, %dma_start3A_152] : memref<2x128x16xf32, #tpu.memory_space<vmem>> -> memref<1x128x16xf32, #tpu.memory_space<vmem>>
      %dma_start3A_154 = tpu.memref_squeeze %dma_start3A_153 : memref<1x128x16xf32, #tpu.memory_space<vmem>> -> memref<128x16xf32, #tpu.memory_space<vmem>>
      %dma_start3A_155 = arith.constant 0 : i32
      %dma_start3A_156 = tpu.memref_slice %arg8[%add3A_148, %dma_start3A_155] : memref<80x128xi32, #tpu.memory_space<vmem>> -> memref<1x128xi32, #tpu.memory_space<vmem>>
      %dma_start3A_157 = tpu.memref_squeeze %dma_start3A_156 : memref<1x128xi32, #tpu.memory_space<vmem>> -> memref<128xi32, #tpu.memory_space<vmem>>
      %dma_start3A_158 = arith.constant 0 : i32
      %dma_start3A_159 = arith.constant 0 : i32
      %dma_start3A_160 = tpu.memref_slice %arg11[%dma_start3A_158, %dma_start3A_159] : memref<10112x16xf32, #tpu.memory_space<vmem_shared>> -> memref<10112x16xf32, #tpu.memory_space<vmem_shared>>
      %dma_start3A_161 = tpu.memref_slice %arg13[%dma_start3A_150] : memref<2x!tpu.dma_semaphore, #tpu.memory_space<semaphore_mem>> -> memref<1x!tpu.dma_semaphore, #tpu.memory_space<semaphore_mem>>
      %dma_start3A_162 = tpu.memref_squeeze %dma_start3A_161 : memref<1x!tpu.dma_semaphore, #tpu.memory_space<semaphore_mem>> -> memref<!tpu.dma_semaphore, #tpu.memory_space<semaphore_mem>>
      tpu.enqueue_indirect_dma source(%dma_start3A_154 : memref<128x16xf32, #tpu.memory_space<vmem>>) target(%dma_start3A_160 : memref<10112x16xf32, #tpu.memory_space<vmem_shared>>) offsets(%dma_start3A_157 : memref<128xi32, #tpu.memory_space<vmem>>) semaphore(%dma_start3A_162 : memref<!tpu.dma_semaphore, #tpu.memory_space<semaphore_mem>>) {add = true}
      %add3A_163 = arith.constant 1 : i32
      %add3A_164 = arith.addi %add3A_130, %add3A_163 : i32
      %dma_wait3A_165 = arith.constant 1 : i32
      %dma_wait3A_166 = arith.constant 1 : i32
      %dma_wait3A_167 = arith.constant 0 : i32
      %dma_wait3A_168 = arith.constant 0 : i32
      %dma_wait3A_169 = tpu.memref_slice %arg9[%dma_wait3A_165, %dma_wait3A_167, %dma_wait3A_168] : memref<2x128x16xf32, #tpu.memory_space<vmem>> -> memref<1x128x16xf32, #tpu.memory_space<vmem>>
      %dma_wait3A_170 = tpu.memref_squeeze %dma_wait3A_169 : memref<1x128x16xf32, #tpu.memory_space<vmem>> -> memref<128x16xf32, #tpu.memory_space<vmem>>
      %dma_wait3A_171 = arith.constant 0 : i32
      %dma_wait3A_172 = tpu.memref_slice %arg7[%add3A_164, %dma_wait3A_171] : memref<80x128xi32, #tpu.memory_space<vmem>> -> memref<1x128xi32, #tpu.memory_space<vmem>>
      %dma_wait3A_173 = tpu.memref_squeeze %dma_wait3A_172 : memref<1x128xi32, #tpu.memory_space<vmem>> -> memref<128xi32, #tpu.memory_space<vmem>>
      %dma_wait3A_174 = arith.constant 0 : i32
      %dma_wait3A_175 = arith.constant 0 : i32
      %dma_wait3A_176 = tpu.memref_slice %arg10[%dma_wait3A_174, %dma_wait3A_175] : memref<10112x16xf32, #tpu.memory_space<vmem_shared>> -> memref<10112x16xf32, #tpu.memory_space<vmem_shared>>
      %dma_wait3A_177 = tpu.memref_slice %arg12[%dma_wait3A_166] : memref<2x!tpu.dma_semaphore, #tpu.memory_space<semaphore_mem>> -> memref<1x!tpu.dma_semaphore, #tpu.memory_space<semaphore_mem>>
      %dma_wait3A_178 = tpu.memref_squeeze %dma_wait3A_177 : memref<1x!tpu.dma_semaphore, #tpu.memory_space<semaphore_mem>> -> memref<!tpu.dma_semaphore, #tpu.memory_space<semaphore_mem>>
      tpu.wait_indirect_dma semaphore(%dma_wait3A_178 : memref<!tpu.dma_semaphore, #tpu.memory_space<semaphore_mem>>) src(%dma_wait3A_176 : memref<10112x16xf32, #tpu.memory_space<vmem_shared>>) dst(%dma_wait3A_170 : memref<128x16xf32, #tpu.memory_space<vmem>>)
      %add3A_179 = arith.constant 1 : i32
      %add3A_180 = arith.addi %add3A_130, %add3A_179 : i32
      %dma_start3A_181 = arith.constant 1 : i32
      %dma_start3A_182 = arith.constant 1 : i32
      %dma_start3A_183 = arith.constant 0 : i32
      %dma_start3A_184 = arith.constant 0 : i32
      %dma_start3A_185 = tpu.memref_slice %arg9[%dma_start3A_181, %dma_start3A_183, %dma_start3A_184] : memref<2x128x16xf32, #tpu.memory_space<vmem>> -> memref<1x128x16xf32, #tpu.memory_space<vmem>>
      %dma_start3A_186 = tpu.memref_squeeze %dma_start3A_185 : memref<1x128x16xf32, #tpu.memory_space<vmem>> -> memref<128x16xf32, #tpu.memory_space<vmem>>
      %dma_start3A_187 = arith.constant 0 : i32
      %dma_start3A_188 = tpu.memref_slice %arg8[%add3A_180, %dma_start3A_187] : memref<80x128xi32, #tpu.memory_space<vmem>> -> memref<1x128xi32, #tpu.memory_space<vmem>>
      %dma_start3A_189 = tpu.memref_squeeze %dma_start3A_188 : memref<1x128xi32, #tpu.memory_space<vmem>> -> memref<128xi32, #tpu.memory_space<vmem>>
      %dma_start3A_190 = arith.constant 0 : i32
      %dma_start3A_191 = arith.constant 0 : i32
      %dma_start3A_192 = tpu.memref_slice %arg11[%dma_start3A_190, %dma_start3A_191] : memref<10112x16xf32, #tpu.memory_space<vmem_shared>> -> memref<10112x16xf32, #tpu.memory_space<vmem_shared>>
      %dma_start3A_193 = tpu.memref_slice %arg13[%dma_start3A_182] : memref<2x!tpu.dma_semaphore, #tpu.memory_space<semaphore_mem>> -> memref<1x!tpu.dma_semaphore, #tpu.memory_space<semaphore_mem>>
      %dma_start3A_194 = tpu.memref_squeeze %dma_start3A_193 : memref<1x!tpu.dma_semaphore, #tpu.memory_space<semaphore_mem>> -> memref<!tpu.dma_semaphore, #tpu.memory_space<semaphore_mem>>
      tpu.enqueue_indirect_dma source(%dma_start3A_186 : memref<128x16xf32, #tpu.memory_space<vmem>>) target(%dma_start3A_192 : memref<10112x16xf32, #tpu.memory_space<vmem_shared>>) offsets(%dma_start3A_189 : memref<128xi32, #tpu.memory_space<vmem>>) semaphore(%dma_start3A_194 : memref<!tpu.dma_semaphore, #tpu.memory_space<semaphore_mem>>) {add = true}
      %add3A_195 = arith.constant 0 : i32
      %add3A_196 = arith.addi %add3A_130, %add3A_195 : i32
      %dma_wait3A_197 = arith.constant 0 : i32
      %dma_wait3A_198 = arith.constant 0 : i32
      %dma_wait3A_199 = arith.constant 0 : i32
      %dma_wait3A_200 = arith.constant 0 : i32
      %dma_wait3A_201 = tpu.memref_slice %arg9[%dma_wait3A_197, %dma_wait3A_199, %dma_wait3A_200] : memref<2x128x16xf32, #tpu.memory_space<vmem>> -> memref<1x128x16xf32, #tpu.memory_space<vmem>>
      %dma_wait3A_202 = tpu.memref_squeeze %dma_wait3A_201 : memref<1x128x16xf32, #tpu.memory_space<vmem>> -> memref<128x16xf32, #tpu.memory_space<vmem>>
      %dma_wait3A_203 = arith.constant 0 : i32
      %dma_wait3A_204 = tpu.memref_slice %arg8[%add3A_196, %dma_wait3A_203] : memref<80x128xi32, #tpu.memory_space<vmem>> -> memref<1x128xi32, #tpu.memory_space<vmem>>
      %dma_wait3A_205 = tpu.memref_squeeze %dma_wait3A_204 : memref<1x128xi32, #tpu.memory_space<vmem>> -> memref<128xi32, #tpu.memory_space<vmem>>
      %dma_wait3A_206 = arith.constant 0 : i32
      %dma_wait3A_207 = arith.constant 0 : i32
      %dma_wait3A_208 = tpu.memref_slice %arg11[%dma_wait3A_206, %dma_wait3A_207] : memref<10112x16xf32, #tpu.memory_space<vmem_shared>> -> memref<10112x16xf32, #tpu.memory_space<vmem_shared>>
      %dma_wait3A_209 = tpu.memref_slice %arg13[%dma_wait3A_198] : memref<2x!tpu.dma_semaphore, #tpu.memory_space<semaphore_mem>> -> memref<1x!tpu.dma_semaphore, #tpu.memory_space<semaphore_mem>>
      %dma_wait3A_210 = tpu.memref_squeeze %dma_wait3A_209 : memref<1x!tpu.dma_semaphore, #tpu.memory_space<semaphore_mem>> -> memref<!tpu.dma_semaphore, #tpu.memory_space<semaphore_mem>>
      tpu.wait_indirect_dma semaphore(%dma_wait3A_210 : memref<!tpu.dma_semaphore, #tpu.memory_space<semaphore_mem>>) src(%dma_wait3A_202 : memref<128x16xf32, #tpu.memory_space<vmem>>) dst(%dma_wait3A_208 : memref<10112x16xf32, #tpu.memory_space<vmem_shared>>)
      %add3A_211 = arith.constant 2 : i32
      %add3A_212 = arith.addi %add3A_130, %add3A_211 : i32
      %add3A_213 = arith.constant 0 : i32
      %add3A_214 = arith.addi %add3A_212, %add3A_213 : i32
      %ge3A = arith.constant 80 : i32
      %ge3A_215 = arith.cmpi sge, %add3A_214, %ge3A : i32
      %add3A_216 = arith.constant 2 : i32
      %add3A_217 = arith.addi %add3A_130, %add3A_216 : i32
      %add3A_218 = arith.constant 0 : i32
      %add3A_219 = arith.addi %add3A_217, %add3A_218 : i32
      %jit3A = arith.constant 0 : i32
      %select_n3A = arith.select %ge3A_215, %jit3A, %add3A_219 : i32
      %dma_start3A_220 = arith.constant 0 : i32
      %dma_start3A_221 = arith.constant 0 : i32
      %dma_start3A_222 = arith.constant 0 : i32
      %dma_start3A_223 = arith.constant 0 : i32
      %dma_start3A_224 = tpu.memref_slice %arg9[%dma_start3A_220, %dma_start3A_222, %dma_start3A_223] : memref<2x128x16xf32, #tpu.memory_space<vmem>> -> memref<1x128x16xf32, #tpu.memory_space<vmem>>
      %dma_start3A_225 = tpu.memref_squeeze %dma_start3A_224 : memref<1x128x16xf32, #tpu.memory_space<vmem>> -> memref<128x16xf32, #tpu.memory_space<vmem>>
      %dma_start3A_226 = arith.constant 0 : i32
      %dma_start3A_227 = tpu.memref_slice %arg7[%select_n3A, %dma_start3A_226] : memref<80x128xi32, #tpu.memory_space<vmem>> -> memref<1x128xi32, #tpu.memory_space<vmem>>
      %dma_start3A_228 = tpu.memref_squeeze %dma_start3A_227 : memref<1x128xi32, #tpu.memory_space<vmem>> -> memref<128xi32, #tpu.memory_space<vmem>>
      %dma_start3A_229 = arith.constant 0 : i32
      %dma_start3A_230 = arith.constant 0 : i32
      %dma_start3A_231 = tpu.memref_slice %arg10[%dma_start3A_229, %dma_start3A_230] : memref<10112x16xf32, #tpu.memory_space<vmem_shared>> -> memref<10112x16xf32, #tpu.memory_space<vmem_shared>>
      %dma_start3A_232 = tpu.memref_slice %arg12[%dma_start3A_221] : memref<2x!tpu.dma_semaphore, #tpu.memory_space<semaphore_mem>> -> memref<1x!tpu.dma_semaphore, #tpu.memory_space<semaphore_mem>>
      %dma_start3A_233 = tpu.memref_squeeze %dma_start3A_232 : memref<1x!tpu.dma_semaphore, #tpu.memory_space<semaphore_mem>> -> memref<!tpu.dma_semaphore, #tpu.memory_space<semaphore_mem>>
      tpu.enqueue_indirect_dma source(%dma_start3A_231 : memref<10112x16xf32, #tpu.memory_space<vmem_shared>>) target(%dma_start3A_225 : memref<128x16xf32, #tpu.memory_space<vmem>>) offsets(%dma_start3A_228 : memref<128xi32, #tpu.memory_space<vmem>>) semaphore(%dma_start3A_233 : memref<!tpu.dma_semaphore, #tpu.memory_space<semaphore_mem>>)
      %add3A_234 = arith.constant 1 : i32
      %add3A_235 = arith.addi %add3A_130, %add3A_234 : i32
      %dma_wait3A_236 = arith.constant 1 : i32
      %dma_wait3A_237 = arith.constant 1 : i32
      %dma_wait3A_238 = arith.constant 0 : i32
      %dma_wait3A_239 = arith.constant 0 : i32
      %dma_wait3A_240 = tpu.memref_slice %arg9[%dma_wait3A_236, %dma_wait3A_238, %dma_wait3A_239] : memref<2x128x16xf32, #tpu.memory_space<vmem>> -> memref<1x128x16xf32, #tpu.memory_space<vmem>>
      %dma_wait3A_241 = tpu.memref_squeeze %dma_wait3A_240 : memref<1x128x16xf32, #tpu.memory_space<vmem>> -> memref<128x16xf32, #tpu.memory_space<vmem>>
      %dma_wait3A_242 = arith.constant 0 : i32
      %dma_wait3A_243 = tpu.memref_slice %arg8[%add3A_235, %dma_wait3A_242] : memref<80x128xi32, #tpu.memory_space<vmem>> -> memref<1x128xi32, #tpu.memory_space<vmem>>
      %dma_wait3A_244 = tpu.memref_squeeze %dma_wait3A_243 : memref<1x128xi32, #tpu.memory_space<vmem>> -> memref<128xi32, #tpu.memory_space<vmem>>
      %dma_wait3A_245 = arith.constant 0 : i32
      %dma_wait3A_246 = arith.constant 0 : i32
      %dma_wait3A_247 = tpu.memref_slice %arg11[%dma_wait3A_245, %dma_wait3A_246] : memref<10112x16xf32, #tpu.memory_space<vmem_shared>> -> memref<10112x16xf32, #tpu.memory_space<vmem_shared>>
      %dma_wait3A_248 = tpu.memref_slice %arg13[%dma_wait3A_237] : memref<2x!tpu.dma_semaphore, #tpu.memory_space<semaphore_mem>> -> memref<1x!tpu.dma_semaphore, #tpu.memory_space<semaphore_mem>>
      %dma_wait3A_249 = tpu.memref_squeeze %dma_wait3A_248 : memref<1x!tpu.dma_semaphore, #tpu.memory_space<semaphore_mem>> -> memref<!tpu.dma_semaphore, #tpu.memory_space<semaphore_mem>>
      tpu.wait_indirect_dma semaphore(%dma_wait3A_249 : memref<!tpu.dma_semaphore, #tpu.memory_space<semaphore_mem>>) src(%dma_wait3A_241 : memref<128x16xf32, #tpu.memory_space<vmem>>) dst(%dma_wait3A_247 : memref<10112x16xf32, #tpu.memory_space<vmem_shared>>)
      %add3A_250 = arith.constant 2 : i32
      %add3A_251 = arith.addi %add3A_130, %add3A_250 : i32
      %add3A_252 = arith.constant 1 : i32
      %add3A_253 = arith.addi %add3A_251, %add3A_252 : i32
      %ge3A_254 = arith.constant 80 : i32
      %ge3A_255 = arith.cmpi sge, %add3A_253, %ge3A_254 : i32
      %add3A_256 = arith.constant 2 : i32
      %add3A_257 = arith.addi %add3A_130, %add3A_256 : i32
      %add3A_258 = arith.constant 1 : i32
      %add3A_259 = arith.addi %add3A_257, %add3A_258 : i32
      %jit3A_260 = arith.constant 1 : i32
      %select_n3A_261 = arith.select %ge3A_255, %jit3A_260, %add3A_259 : i32
      %dma_start3A_262 = arith.constant 1 : i32
      %dma_start3A_263 = arith.constant 1 : i32
      %dma_start3A_264 = arith.constant 0 : i32
      %dma_start3A_265 = arith.constant 0 : i32
      %dma_start3A_266 = tpu.memref_slice %arg9[%dma_start3A_262, %dma_start3A_264, %dma_start3A_265] : memref<2x128x16xf32, #tpu.memory_space<vmem>> -> memref<1x128x16xf32, #tpu.memory_space<vmem>>
      %dma_start3A_267 = tpu.memref_squeeze %dma_start3A_266 : memref<1x128x16xf32, #tpu.memory_space<vmem>> -> memref<128x16xf32, #tpu.memory_space<vmem>>
      %dma_start3A_268 = arith.constant 0 : i32
      %dma_start3A_269 = tpu.memref_slice %arg7[%select_n3A_261, %dma_start3A_268] : memref<80x128xi32, #tpu.memory_space<vmem>> -> memref<1x128xi32, #tpu.memory_space<vmem>>
      %dma_start3A_270 = tpu.memref_squeeze %dma_start3A_269 : memref<1x128xi32, #tpu.memory_space<vmem>> -> memref<128xi32, #tpu.memory_space<vmem>>
      %dma_start3A_271 = arith.constant 0 : i32
      %dma_start3A_272 = arith.constant 0 : i32
      %dma_start3A_273 = tpu.memref_slice %arg10[%dma_start3A_271, %dma_start3A_272] : memref<10112x16xf32, #tpu.memory_space<vmem_shared>> -> memref<10112x16xf32, #tpu.memory_space<vmem_shared>>
      %dma_start3A_274 = tpu.memref_slice %arg12[%dma_start3A_263] : memref<2x!tpu.dma_semaphore, #tpu.memory_space<semaphore_mem>> -> memref<1x!tpu.dma_semaphore, #tpu.memory_space<semaphore_mem>>
      %dma_start3A_275 = tpu.memref_squeeze %dma_start3A_274 : memref<1x!tpu.dma_semaphore, #tpu.memory_space<semaphore_mem>> -> memref<!tpu.dma_semaphore, #tpu.memory_space<semaphore_mem>>
      tpu.enqueue_indirect_dma source(%dma_start3A_273 : memref<10112x16xf32, #tpu.memory_space<vmem_shared>>) target(%dma_start3A_267 : memref<128x16xf32, #tpu.memory_space<vmem>>) offsets(%dma_start3A_270 : memref<128xi32, #tpu.memory_space<vmem>>) semaphore(%dma_start3A_275 : memref<!tpu.dma_semaphore, #tpu.memory_space<semaphore_mem>>)
    }
    %scan3A_94 = arith.constant 40 : i32
    %dma_wait3A_95 = arith.constant 0 : i32
    %dma_wait3A_96 = arith.constant 0 : i32
    %dma_wait3A_97 = arith.constant 0 : i32
    %dma_wait3A_98 = arith.constant 0 : i32
    %dma_wait3A_99 = arith.constant 0 : i32
    %dma_wait3A_100 = tpu.memref_slice %arg9[%dma_wait3A_96, %dma_wait3A_98, %dma_wait3A_99] : memref<2x128x16xf32, #tpu.memory_space<vmem>> -> memref<1x128x16xf32, #tpu.memory_space<vmem>>
    %dma_wait3A_101 = tpu.memref_squeeze %dma_wait3A_100 : memref<1x128x16xf32, #tpu.memory_space<vmem>> -> memref<128x16xf32, #tpu.memory_space<vmem>>
    %dma_wait3A_102 = arith.constant 0 : i32
    %dma_wait3A_103 = tpu.memref_slice %arg7[%dma_wait3A_95, %dma_wait3A_102] : memref<80x128xi32, #tpu.memory_space<vmem>> -> memref<1x128xi32, #tpu.memory_space<vmem>>
    %dma_wait3A_104 = tpu.memref_squeeze %dma_wait3A_103 : memref<1x128xi32, #tpu.memory_space<vmem>> -> memref<128xi32, #tpu.memory_space<vmem>>
    %dma_wait3A_105 = arith.constant 0 : i32
    %dma_wait3A_106 = arith.constant 0 : i32
    %dma_wait3A_107 = tpu.memref_slice %arg10[%dma_wait3A_105, %dma_wait3A_106] : memref<10112x16xf32, #tpu.memory_space<vmem_shared>> -> memref<10112x16xf32, #tpu.memory_space<vmem_shared>>
    %dma_wait3A_108 = tpu.memref_slice %arg12[%dma_wait3A_97] : memref<2x!tpu.dma_semaphore, #tpu.memory_space<semaphore_mem>> -> memref<1x!tpu.dma_semaphore, #tpu.memory_space<semaphore_mem>>
    %dma_wait3A_109 = tpu.memref_squeeze %dma_wait3A_108 : memref<1x!tpu.dma_semaphore, #tpu.memory_space<semaphore_mem>> -> memref<!tpu.dma_semaphore, #tpu.memory_space<semaphore_mem>>
    tpu.wait_indirect_dma semaphore(%dma_wait3A_109 : memref<!tpu.dma_semaphore, #tpu.memory_space<semaphore_mem>>) src(%dma_wait3A_107 : memref<10112x16xf32, #tpu.memory_space<vmem_shared>>) dst(%dma_wait3A_101 : memref<128x16xf32, #tpu.memory_space<vmem>>)
    %dma_wait3A_110 = arith.constant 1 : i32
    %dma_wait3A_111 = arith.constant 1 : i32
    %dma_wait3A_112 = arith.constant 1 : i32
    %dma_wait3A_113 = arith.constant 0 : i32
    %dma_wait3A_114 = arith.constant 0 : i32
    %dma_wait3A_115 = tpu.memref_slice %arg9[%dma_wait3A_111, %dma_wait3A_113, %dma_wait3A_114] : memref<2x128x16xf32, #tpu.memory_space<vmem>> -> memref<1x128x16xf32, #tpu.memory_space<vmem>>
    %dma_wait3A_116 = tpu.memref_squeeze %dma_wait3A_115 : memref<1x128x16xf32, #tpu.memory_space<vmem>> -> memref<128x16xf32, #tpu.memory_space<vmem>>
    %dma_wait3A_117 = arith.constant 0 : i32
    %dma_wait3A_118 = tpu.memref_slice %arg7[%dma_wait3A_110, %dma_wait3A_117] : memref<80x128xi32, #tpu.memory_space<vmem>> -> memref<1x128xi32, #tpu.memory_space<vmem>>
    %dma_wait3A_119 = tpu.memref_squeeze %dma_wait3A_118 : memref<1x128xi32, #tpu.memory_space<vmem>> -> memref<128xi32, #tpu.memory_space<vmem>>
    %dma_wait3A_120 = arith.constant 0 : i32
    %dma_wait3A_121 = arith.constant 0 : i32
    %dma_wait3A_122 = tpu.memref_slice %arg10[%dma_wait3A_120, %dma_wait3A_121] : memref<10112x16xf32, #tpu.memory_space<vmem_shared>> -> memref<10112x16xf32, #tpu.memory_space<vmem_shared>>
    %dma_wait3A_123 = tpu.memref_slice %arg12[%dma_wait3A_112] : memref<2x!tpu.dma_semaphore, #tpu.memory_space<semaphore_mem>> -> memref<1x!tpu.dma_semaphore, #tpu.memory_space<semaphore_mem>>
    %dma_wait3A_124 = tpu.memref_squeeze %dma_wait3A_123 : memref<1x!tpu.dma_semaphore, #tpu.memory_space<semaphore_mem>> -> memref<!tpu.dma_semaphore, #tpu.memory_space<semaphore_mem>>
    tpu.wait_indirect_dma semaphore(%dma_wait3A_124 : memref<!tpu.dma_semaphore, #tpu.memory_space<semaphore_mem>>) src(%dma_wait3A_122 : memref<10112x16xf32, #tpu.memory_space<vmem_shared>>) dst(%dma_wait3A_116 : memref<128x16xf32, #tpu.memory_space<vmem>>)
    %barrier3A_125 = arith.constant 0 : index
    tpu.barrier barrier_id(%barrier3A_125)
    "tpu.region"() ({
      %run_scoped3A = tpu.sem_alloc : memref<!tpu.dma_semaphore, #tpu.memory_space<semaphore_mem>>
      %dma_start3A_126 = arith.constant 0 : i32
      %dma_start3A_127 = tpu.memref_slice %arg6[%arg0, %mul3A_2, %dma_start3A_126] : memref<2x10112x16xf32, #tpu.memory_space<hbm>> -> memref<1x632x16xf32, #tpu.memory_space<hbm>>
      %dma_start3A_128 = tpu.memref_squeeze %dma_start3A_127 : memref<1x632x16xf32, #tpu.memory_space<hbm>> -> memref<632x16xf32, #tpu.memory_space<hbm>>
      %dma_start3A_129 = arith.constant 0 : i32
      %dma_start3A_130 = tpu.memref_slice %arg11[%mul3A_2, %dma_start3A_129] : memref<10112x16xf32, #tpu.memory_space<vmem_shared>> -> memref<632x16xf32, #tpu.memory_space<vmem_shared>>
      tpu.enqueue_dma source(%dma_start3A_130 : memref<632x16xf32, #tpu.memory_space<vmem_shared>>) target(%dma_start3A_128 : memref<632x16xf32, #tpu.memory_space<hbm>>) target_semaphore(%run_scoped3A : memref<!tpu.dma_semaphore, #tpu.memory_space<semaphore_mem>>)
      %dma_wait3A_131 = arith.constant 0 : i32
      %dma_wait3A_132 = tpu.memref_slice %arg6[%arg0, %mul3A_2, %dma_wait3A_131] : memref<2x10112x16xf32, #tpu.memory_space<hbm>> -> memref<1x632x16xf32, #tpu.memory_space<hbm>>
      %dma_wait3A_133 = tpu.memref_squeeze %dma_wait3A_132 : memref<1x632x16xf32, #tpu.memory_space<hbm>> -> memref<632x16xf32, #tpu.memory_space<hbm>>
      %dma_wait3A_134 = arith.constant 0 : i32
      %dma_wait3A_135 = tpu.memref_slice %arg11[%mul3A_2, %dma_wait3A_134] : memref<10112x16xf32, #tpu.memory_space<vmem_shared>> -> memref<632x16xf32, #tpu.memory_space<vmem_shared>>
      tpu.wait_dma2 semaphore(%run_scoped3A : memref<!tpu.dma_semaphore, #tpu.memory_space<semaphore_mem>>) src(%dma_wait3A_135 : memref<632x16xf32, #tpu.memory_space<vmem_shared>>) dst(%dma_wait3A_133 : memref<632x16xf32, #tpu.memory_space<hbm>>)
      tpu.yield
    }) : () -> ()
    return
  }
}

module attributes {stable_mosaic.version = 14 : i64} {
  func.func @_mm1_body(%arg0: i32, %arg1: memref<1000x128xf32, #tpu.memory_space<vmem>>, %arg2: memref<128x64xf32, #tpu.memory_space<vmem>>, %arg3: memref<1000x64xf32, #tpu.memory_space<vmem>>) attributes {dimension_semantics = [#tpu.dimension_semantics<arbitrary>], iteration_bounds = array<i64: 10>, scalar_prefetch = 0 : i64, scratch_operands = 0 : i64, tpu.core_type = #tpu.core_type<tc>, window_params = [{transform_indices = @transform_0, window_bounds = array<i64: 1000, 128>}, {pipeline_mode = #tpu.pipeline_mode<synchronous>, transform_indices = @transform_1, window_bounds = array<i64: 128, 64>}, {transform_indices = @transform_2, window_bounds = array<i64: 1000, 64>}]} {
    %get3A = arith.constant 0 : index
    %get3A_0 = arith.constant 0 : index
    %get3A_1 = vector.load %arg1[%get3A, %get3A_0] : memref<1000x128xf32, #tpu.memory_space<vmem>>, vector<1000x128xf32>
    %get3A_2 = arith.constant 0 : index
    %get3A_3 = arith.constant 0 : index
    %get3A_4 = vector.load %arg2[%get3A_2, %get3A_3] : memref<128x64xf32, #tpu.memory_space<vmem>>, vector<128x64xf32>
    %dot_general3A = arith.constant dense<0.000000e+00> : vector<1000x64xf32>
    %dot_general3A_5 = tpu.matmul %get3A_1, %get3A_4, %dot_general3A {dimension_numbers = #tpu.dot_dimension_numbers<[1], [0], [0], [1], [0, 0, 1, 1], [], []>, precision = #tpu.contract_precision<fp32>, transpose_lhs_hint = false} : vector<1000x128xf32>, vector<128x64xf32>, vector<1000x64xf32> -> vector<1000x64xf32>
    %swap3A = arith.constant 0 : index
    %swap3A_6 = arith.constant 0 : index
    %swap3A_7 = vector.load %arg3[%swap3A, %swap3A_6] : memref<1000x64xf32, #tpu.memory_space<vmem>>, vector<1000x64xf32>
    tpu.vector_store %arg3[%swap3A, %swap3A_6], %dot_general3A_5 {strides = array<i32>} : memref<1000x64xf32, #tpu.memory_space<vmem>>, vector<1000x64xf32>,
    return
  }
  func.func @transform_0(%arg0: i32) -> (i32, i32) {
    %c0_i32 = arith.constant 0 : i32
    %c0_i32_0 = arith.constant 0 : i32
    return %arg0, %c0_i32 : i32, i32
  }
  func.func @transform_1(%arg0: i32) -> (i32, i32) {
    %c0_i32 = arith.constant 0 : i32
    %c0_i32_0 = arith.constant 0 : i32
    %c0_i32_1 = arith.constant 0 : i32
    return %c0_i32, %c0_i32_0 : i32, i32
  }
  func.func @transform_2(%arg0: i32) -> (i32, i32) {
    %c0_i32 = arith.constant 0 : i32
    %c0_i32_0 = arith.constant 0 : i32
    return %arg0, %c0_i32 : i32, i32
  }
}

module attributes {stable_mosaic.version = 14 : i64} {
  func.func @_dinv_body(%arg0: i32, %arg1: memref<32x10112xf32, #tpu.memory_space<vmem>>, %arg2: memref<10112x64xf32, #tpu.memory_space<vmem>>, %arg3: memref<10112x1xf32, #tpu.memory_space<vmem>>, %arg4: memref<10112x64xf32, #tpu.memory_space<vmem>>) attributes {dimension_semantics = [#tpu.dimension_semantics<arbitrary>], iteration_bounds = array<i64: 1>, scalar_prefetch = 0 : i64, scratch_operands = 0 : i64, tpu.core_type = #tpu.core_type<tc>, window_params = [{pipeline_mode = #tpu.pipeline_mode<synchronous>, transform_indices = @transform_0, window_bounds = array<i64: 32, 10112>}, {pipeline_mode = #tpu.pipeline_mode<synchronous>, transform_indices = @transform_1, window_bounds = array<i64: 10112, 64>}, {pipeline_mode = #tpu.pipeline_mode<synchronous>, transform_indices = @transform_2, window_bounds = array<i64: 10112, 1>}, {pipeline_mode = #tpu.pipeline_mode<synchronous>, transform_indices = @transform_3, window_bounds = array<i64: 10112, 64>}]} {
    %get3A = arith.constant 0 : index
    %get3A_0 = arith.constant 0 : index
    %get3A_1 = vector.load %arg1[%get3A, %get3A_0] : memref<32x10112xf32, #tpu.memory_space<vmem>>, vector<32x10112xf32>
    %reduce_sum3A = arith.constant dense<0.000000e+00> : vector<10112xf32>
    %reduce_sum3A_2 = vector.multi_reduction <add>, %get3A_1, %reduce_sum3A [0] : vector<32x10112xf32> to vector<10112xf32>
    %add3A = arith.constant 1.000000e+00 : f32
    %add3A_3 = vector.broadcast %add3A : f32 to vector<10112xf32>
    %add3A_4 = arith.addf %reduce_sum3A_2, %add3A_3 : vector<10112xf32>
    %rsqrt3A = math.rsqrt %add3A_4 : vector<10112xf32>
    %broadcast_in_dim3A = vector.shape_cast %rsqrt3A : vector<10112xf32> to vector<10112x1xf32>
    %swap3A = arith.constant 0 : index
    %swap3A_5 = arith.constant 0 : index
    %swap3A_6 = vector.load %arg3[%swap3A, %swap3A_5] : memref<10112x1xf32, #tpu.memory_space<vmem>>, vector<10112x1xf32>
    tpu.vector_store %arg3[%swap3A, %swap3A_5], %broadcast_in_dim3A {strides = array<i32>} : memref<10112x1xf32, #tpu.memory_space<vmem>>, vector<10112x1xf32>,
    %get3A_7 = arith.constant 0 : index
    %get3A_8 = arith.constant 0 : index
    %get3A_9 = vector.load %arg2[%get3A_7, %get3A_8] : memref<10112x64xf32, #tpu.memory_space<vmem>>, vector<10112x64xf32>
    %mul3A = vector.broadcast %broadcast_in_dim3A : vector<10112x1xf32> to vector<10112x64xf32>
    %mul3A_10 = arith.mulf %get3A_9, %mul3A : vector<10112x64xf32>
    %swap3A_11 = arith.constant 0 : index
    %swap3A_12 = arith.constant 0 : index
    %swap3A_13 = vector.load %arg4[%swap3A_11, %swap3A_12] : memref<10112x64xf32, #tpu.memory_space<vmem>>, vector<10112x64xf32>
    tpu.vector_store %arg4[%swap3A_11, %swap3A_12], %mul3A_10 {strides = array<i32>} : memref<10112x64xf32, #tpu.memory_space<vmem>>, vector<10112x64xf32>,
    return
  }
  func.func @transform_0(%arg0: i32) -> (i32, i32) {
    %c0_i32 = arith.constant 0 : i32
    %c0_i32_0 = arith.constant 0 : i32
    %c0_i32_1 = arith.constant 0 : i32
    return %c0_i32, %c0_i32_0 : i32, i32
  }
  func.func @transform_1(%arg0: i32) -> (i32, i32) {
    %c0_i32 = arith.constant 0 : i32
    %c0_i32_0 = arith.constant 0 : i32
    %c0_i32_1 = arith.constant 0 : i32
    return %c0_i32, %c0_i32_0 : i32, i32
  }
  func.func @transform_2(%arg0: i32) -> (i32, i32) {
    %c0_i32 = arith.constant 0 : i32
    %c0_i32_0 = arith.constant 0 : i32
    %c0_i32_1 = arith.constant 0 : i32
    return %c0_i32, %c0_i32_0 : i32, i32
  }
  func.func @transform_3(%arg0: i32) -> (i32, i32) {
    %c0_i32 = arith.constant 0 : i32
    %c0_i32_0 = arith.constant 0 : i32
    %c0_i32_1 = arith.constant 0 : i32
    return %c0_i32, %c0_i32_0 : i32, i32
  }
}

module attributes {stable_mosaic.version = 14 : i64} {
  func.func @_mid_body(%arg0: i32, %arg1: memref<2x1000x64xf32, #tpu.memory_space<vmem>>, %arg2: memref<1000x64xf32, #tpu.memory_space<vmem>>, %arg3: memref<1000x1xf32, #tpu.memory_space<vmem>>, %arg4: memref<1x64xf32, #tpu.memory_space<vmem>>, %arg5: memref<64x16xf32, #tpu.memory_space<vmem>>, %arg6: memref<1000x16xf32, #tpu.memory_space<vmem>>) attributes {dimension_semantics = [#tpu.dimension_semantics<arbitrary>], iteration_bounds = array<i64: 10>, scalar_prefetch = 0 : i64, scratch_operands = 0 : i64, tpu.core_type = #tpu.core_type<tc>, window_params = [{transform_indices = @transform_0, window_bounds = array<i64: 2, 1000, 64>}, {transform_indices = @transform_1, window_bounds = array<i64: 1000, 64>}, {transform_indices = @transform_2, window_bounds = array<i64: 1000, 1>}, {pipeline_mode = #tpu.pipeline_mode<synchronous>, transform_indices = @transform_3, window_bounds = array<i64: 1, 64>}, {pipeline_mode = #tpu.pipeline_mode<synchronous>, transform_indices = @transform_4, window_bounds = array<i64: 64, 16>}, {transform_indices = @transform_5, window_bounds = array<i64: 1000, 16>}]} {
    %get3A = arith.constant 0 : index
    %get3A_0 = arith.constant 0 : index
    %get3A_1 = vector.load %arg3[%get3A, %get3A_0] : memref<1000x1xf32, #tpu.memory_space<vmem>>, vector<1000x1xf32>
    %get3A_2 = arith.constant 0 : index
    %get3A_3 = arith.constant 0 : index
    %get3A_4 = arith.constant 0 : index
    %get3A_5 = vector.load %arg1[%get3A_2, %get3A_3, %get3A_4] : memref<2x1000x64xf32, #tpu.memory_space<vmem>>, vector<1x1000x64xf32>
    %get3A_6 = vector.shape_cast %get3A_5 : vector<1x1000x64xf32> to vector<1000x64xf32>
    %get3A_7 = arith.constant 1 : index
    %get3A_8 = arith.constant 0 : index
    %get3A_9 = arith.constant 0 : index
    %get3A_10 = vector.load %arg1[%get3A_7, %get3A_8, %get3A_9] : memref<2x1000x64xf32, #tpu.memory_space<vmem>>, vector<1x1000x64xf32>
    %get3A_11 = vector.shape_cast %get3A_10 : vector<1x1000x64xf32> to vector<1000x64xf32>
    %add3A = arith.addf %get3A_6, %get3A_11 : vector<1000x64xf32>
    %get3A_12 = arith.constant 0 : index
    %get3A_13 = arith.constant 0 : index
    %get3A_14 = vector.load %arg2[%get3A_12, %get3A_13] : memref<1000x64xf32, #tpu.memory_space<vmem>>, vector<1000x64xf32>
    %add3A_15 = arith.addf %add3A, %get3A_14 : vector<1000x64xf32>
    %mul3A = vector.broadcast %get3A_1 : vector<1000x1xf32> to vector<1000x64xf32>
    %mul3A_16 = arith.mulf %add3A_15, %mul3A : vector<1000x64xf32>
    %get3A_17 = arith.constant 0 : index
    %get3A_18 = arith.constant 0 : index
    %get3A_19 = vector.load %arg4[%get3A_17, %get3A_18] : memref<1x64xf32, #tpu.memory_space<vmem>>, vector<1x64xf32>
    %add3A_20 = vector.broadcast %get3A_19 : vector<1x64xf32> to vector<1000x64xf32>
    %add3A_21 = arith.addf %mul3A_16, %add3A_20 : vector<1000x64xf32>
    %max3A = arith.constant 0.000000e+00 : f32
    %max3A_22 = vector.broadcast %max3A : f32 to vector<1000x64xf32>
    %max3A_23 = arith.maximumf %add3A_21, %max3A_22 : vector<1000x64xf32>
    %get3A_24 = arith.constant 0 : index
    %get3A_25 = arith.constant 0 : index
    %get3A_26 = vector.load %arg5[%get3A_24, %get3A_25] : memref<64x16xf32, #tpu.memory_space<vmem>>, vector<64x16xf32>
    %dot_general3A = arith.constant dense<0.000000e+00> : vector<1000x16xf32>
    %dot_general3A_27 = tpu.matmul %max3A_23, %get3A_26, %dot_general3A {dimension_numbers = #tpu.dot_dimension_numbers<[1], [0], [0], [1], [0, 0, 1, 1], [], []>, precision = #tpu.contract_precision<fp32>, transpose_lhs_hint = false} : vector<1000x64xf32>, vector<64x16xf32>, vector<1000x16xf32> -> vector<1000x16xf32>
    %mul3A_28 = vector.broadcast %get3A_1 : vector<1000x1xf32> to vector<1000x16xf32>
    %mul3A_29 = arith.mulf %dot_general3A_27, %mul3A_28 : vector<1000x16xf32>
    %swap3A = arith.constant 0 : index
    %swap3A_30 = arith.constant 0 : index
    %swap3A_31 = vector.load %arg6[%swap3A, %swap3A_30] : memref<1000x16xf32, #tpu.memory_space<vmem>>, vector<1000x16xf32>
    tpu.vector_store %arg6[%swap3A, %swap3A_30], %mul3A_29 {strides = array<i32>} : memref<1000x16xf32, #tpu.memory_space<vmem>>, vector<1000x16xf32>,
    return
  }
  func.func @transform_0(%arg0: i32) -> (i32, i32, i32) {
    %c0_i32 = arith.constant 0 : i32
    %c0_i32_0 = arith.constant 0 : i32
    %c0_i32_1 = arith.constant 0 : i32
    return %c0_i32, %arg0, %c0_i32_0 : i32, i32, i32
  }
  func.func @transform_1(%arg0: i32) -> (i32, i32) {
    %c0_i32 = arith.constant 0 : i32
    %c0_i32_0 = arith.constant 0 : i32
    return %arg0, %c0_i32 : i32, i32
  }
  func.func @transform_2(%arg0: i32) -> (i32, i32) {
    %c0_i32 = arith.constant 0 : i32
    %c0_i32_0 = arith.constant 0 : i32
    return %arg0, %c0_i32 : i32, i32
  }
  func.func @transform_3(%arg0: i32) -> (i32, i32) {
    %c0_i32 = arith.constant 0 : i32
    %c0_i32_0 = arith.constant 0 : i32
    %c0_i32_1 = arith.constant 0 : i32
    return %c0_i32, %c0_i32_0 : i32, i32
  }
  func.func @transform_4(%arg0: i32) -> (i32, i32) {
    %c0_i32 = arith.constant 0 : i32
    %c0_i32_0 = arith.constant 0 : i32
    %c0_i32_1 = arith.constant 0 : i32
    return %c0_i32, %c0_i32_0 : i32, i32
  }
  func.func @transform_5(%arg0: i32) -> (i32, i32) {
    %c0_i32 = arith.constant 0 : i32
    %c0_i32_0 = arith.constant 0 : i32
    return %arg0, %c0_i32 : i32, i32
  }
}

module attributes {stable_mosaic.version = 14 : i64} {
  func.func @_zk_body(%arg0: i32, %arg1: memref<2x1000x16xf32, #tpu.memory_space<vmem>>, %arg2: memref<1000x16xf32, #tpu.memory_space<vmem>>, %arg3: memref<1000x1xf32, #tpu.memory_space<vmem>>, %arg4: memref<1x16xf32, #tpu.memory_space<vmem>>, %arg5: memref<1000x16xbf16, #tpu.memory_space<vmem>>) attributes {dimension_semantics = [#tpu.dimension_semantics<arbitrary>], iteration_bounds = array<i64: 10>, scalar_prefetch = 0 : i64, scratch_operands = 0 : i64, tpu.core_type = #tpu.core_type<tc>, window_params = [{transform_indices = @transform_0, window_bounds = array<i64: 2, 1000, 16>}, {transform_indices = @transform_1, window_bounds = array<i64: 1000, 16>}, {transform_indices = @transform_2, window_bounds = array<i64: 1000, 1>}, {pipeline_mode = #tpu.pipeline_mode<synchronous>, transform_indices = @transform_3, window_bounds = array<i64: 1, 16>}, {transform_indices = @transform_4, window_bounds = array<i64: 1000, 16>}]} {
    %get3A = arith.constant 0 : index
    %get3A_0 = arith.constant 0 : index
    %get3A_1 = arith.constant 0 : index
    %get3A_2 = vector.load %arg1[%get3A, %get3A_0, %get3A_1] : memref<2x1000x16xf32, #tpu.memory_space<vmem>>, vector<1x1000x16xf32>
    %get3A_3 = vector.shape_cast %get3A_2 : vector<1x1000x16xf32> to vector<1000x16xf32>
    %get3A_4 = arith.constant 1 : index
    %get3A_5 = arith.constant 0 : index
    %get3A_6 = arith.constant 0 : index
    %get3A_7 = vector.load %arg1[%get3A_4, %get3A_5, %get3A_6] : memref<2x1000x16xf32, #tpu.memory_space<vmem>>, vector<1x1000x16xf32>
    %get3A_8 = vector.shape_cast %get3A_7 : vector<1x1000x16xf32> to vector<1000x16xf32>
    %add3A = arith.addf %get3A_3, %get3A_8 : vector<1000x16xf32>
    %get3A_9 = arith.constant 0 : index
    %get3A_10 = arith.constant 0 : index
    %get3A_11 = vector.load %arg2[%get3A_9, %get3A_10] : memref<1000x16xf32, #tpu.memory_space<vmem>>, vector<1000x16xf32>
    %add3A_12 = arith.addf %add3A, %get3A_11 : vector<1000x16xf32>
    %get3A_13 = arith.constant 0 : index
    %get3A_14 = arith.constant 0 : index
    %get3A_15 = vector.load %arg3[%get3A_13, %get3A_14] : memref<1000x1xf32, #tpu.memory_space<vmem>>, vector<1000x1xf32>
    %mul3A = vector.broadcast %get3A_15 : vector<1000x1xf32> to vector<1000x16xf32>
    %mul3A_16 = arith.mulf %add3A_12, %mul3A : vector<1000x16xf32>
    %get3A_17 = arith.constant 0 : index
    %get3A_18 = arith.constant 0 : index
    %get3A_19 = vector.load %arg4[%get3A_17, %get3A_18] : memref<1x16xf32, #tpu.memory_space<vmem>>, vector<1x16xf32>
    %add3A_20 = vector.broadcast %get3A_19 : vector<1x16xf32> to vector<1000x16xf32>
    %add3A_21 = arith.addf %mul3A_16, %add3A_20 : vector<1000x16xf32>
    %convert_element_type3A = arith.truncf %add3A_21 : vector<1000x16xf32> to vector<1000x16xbf16>
    %swap3A = arith.constant 0 : index
    %swap3A_22 = arith.constant 0 : index
    %swap3A_23 = vector.load %arg5[%swap3A, %swap3A_22] : memref<1000x16xbf16, #tpu.memory_space<vmem>>, vector<1000x16xbf16>
    tpu.vector_store %arg5[%swap3A, %swap3A_22], %convert_element_type3A {strides = array<i32>} : memref<1000x16xbf16, #tpu.memory_space<vmem>>, vector<1000x16xbf16>,
    return
  }
  func.func @transform_0(%arg0: i32) -> (i32, i32, i32) {
    %c0_i32 = arith.constant 0 : i32
    %c0_i32_0 = arith.constant 0 : i32
    %c0_i32_1 = arith.constant 0 : i32
    return %c0_i32, %arg0, %c0_i32_0 : i32, i32, i32
  }
  func.func @transform_1(%arg0: i32) -> (i32, i32) {
    %c0_i32 = arith.constant 0 : i32
    %c0_i32_0 = arith.constant 0 : i32
    return %arg0, %c0_i32 : i32, i32
  }
  func.func @transform_2(%arg0: i32) -> (i32, i32) {
    %c0_i32 = arith.constant 0 : i32
    %c0_i32_0 = arith.constant 0 : i32
    return %arg0, %c0_i32 : i32, i32
  }
  func.func @transform_3(%arg0: i32) -> (i32, i32) {
    %c0_i32 = arith.constant 0 : i32
    %c0_i32_0 = arith.constant 0 : i32
    %c0_i32_1 = arith.constant 0 : i32
    return %c0_i32, %c0_i32_0 : i32, i32
  }
  func.func @transform_4(%arg0: i32) -> (i32, i32) {
    %c0_i32 = arith.constant 0 : i32
    %c0_i32_0 = arith.constant 0 : i32
    return %arg0, %c0_i32 : i32, i32
  }
}

module attributes {stable_mosaic.version = 14 : i64} {
  func.func @_dec_body(%arg0: i32, %arg1: memref<400x16xbf16, #tpu.memory_space<vmem>>, %arg2: memref<10000x16xbf16, #tpu.memory_space<vmem>>, %arg3: memref<400x10000xf32, #tpu.memory_space<vmem>>) attributes {dimension_semantics = [#tpu.dimension_semantics<parallel>], iteration_bounds = array<i64: 25>, scalar_prefetch = 0 : i64, scratch_operands = 0 : i64, tpu.core_type = #tpu.core_type<tc>, window_params = [{transform_indices = @transform_0, window_bounds = array<i64: 400, 16>}, {pipeline_mode = #tpu.pipeline_mode<synchronous>, transform_indices = @transform_1, window_bounds = array<i64: 10000, 16>}, {transform_indices = @transform_2, window_bounds = array<i64: 400, 10000>}]} {
    %get3A = arith.constant 0 : index
    %get3A_0 = arith.constant 0 : index
    %get3A_1 = vector.load %arg1[%get3A, %get3A_0] : memref<400x16xbf16, #tpu.memory_space<vmem>>, vector<400x16xbf16>
    %get3A_2 = arith.constant 0 : index
    %get3A_3 = arith.constant 0 : index
    %get3A_4 = vector.load %arg2[%get3A_2, %get3A_3] : memref<10000x16xbf16, #tpu.memory_space<vmem>>, vector<10000x16xbf16>
    %dot_general3A = arith.constant dense<0.000000e+00> : vector<400x10000xf32>
    %dot_general3A_5 = tpu.matmul %get3A_1, %get3A_4, %dot_general3A {dimension_numbers = #tpu.dot_dimension_numbers<[1], [1], [0], [0], [0, 0, 1, 0], [], []>, transpose_lhs_hint = false} : vector<400x16xbf16>, vector<10000x16xbf16>, vector<400x10000xf32> -> vector<400x10000xf32>
    %swap3A = arith.constant 0 : index
    %swap3A_6 = arith.constant 0 : index
    %swap3A_7 = vector.load %arg3[%swap3A, %swap3A_6] : memref<400x10000xf32, #tpu.memory_space<vmem>>, vector<400x10000xf32>
    tpu.vector_store %arg3[%swap3A, %swap3A_6], %dot_general3A_5 {strides = array<i32>} : memref<400x10000xf32, #tpu.memory_space<vmem>>, vector<400x10000xf32>,
    return
  }
  func.func @transform_0(%arg0: i32) -> (i32, i32) {
    %c0_i32 = arith.constant 0 : i32
    %c0_i32_0 = arith.constant 0 : i32
    return %arg0, %c0_i32 : i32, i32
  }
  func.func @transform_1(%arg0: i32) -> (i32, i32) {
    %c0_i32 = arith.constant 0 : i32
    %c0_i32_0 = arith.constant 0 : i32
    %c0_i32_1 = arith.constant 0 : i32
    return %c0_i32, %c0_i32_0 : i32, i32
  }
  func.func @transform_2(%arg0: i32) -> (i32, i32) {
    %c0_i32 = arith.constant 0 : i32
    %c0_i32_0 = arith.constant 0 : i32
    return %arg0, %c0_i32 : i32, i32
  }
}

</mosaic_0001>

<sc_bundles>
// kernel: kernel.10.cloned.1.call-start
scs
__scs_entry_jumppad:
0x0: {  	(pc) =	sbr.rel $0x88, $3  }
0x1: {  	(tag) =	ssettag $0x0;
	lr =	simm.s32 $0x1  }
0x2: {  	[smem:$0x3F9B] =	sst lr;
	_ =	strace $0xD0000000  }
0x3: {  	_ = 	snop  }
0x4: {  	_ = 	snop  }
0x5: {  	_ = 	snop  }
0x6: {  	_ = 	snop  }
0x7: {  	_ = 	snop  }
__scs_overlays_trampoline_lowered:
0x8: {  	[smem:$0x3FAA] =	sst s0  }
0x9: {  	[smem:$0x3FAB] =	sst s1  }
0xa: {  	[smem:$0x3FAC] =	sst s2  }
0xb: {  	[smem:$0x3FAD] =	sst s3  }
0xc: {  	[smem:$0x3FAE] =	sst s4  }
0xd: {  	[smem:$0x3FAF] =	sst s5  }
0xe: {  	[smem:$0x3FB0] =	sst s6  }
0xf: {  	[smem:$0x3FB1] =	sst s7  }
0x10: {  	[smem:$0x3FB2] =	sst s8  }
0x11: {  	[smem:$0x3FB3] =	sst s9;
	s0 =	simm.s32 @!p0 $0x0  }
0x12: {  	s1 =	sld [smem:$0x3F99];
	s0 =	simm.s32 @p0 $0x1  }
0x13: {  	[smem:$0x3FB4] =	sst s0;
	s0 =	simm.s32 @!p1 $0x0  }
0x14: {  	s2 =	sld [smem:$0x3F98];
	s0 =	simm.s32 @p1 $0x1  }
0x15: {  	[smem:$0x3FB5] =	sst s0;
	s0 =	simm.s32 @!p2 $0x0  }
0x16: {  	s3 =	sld [smem:$0x3FDB];
	s0 =	simm.s32 @p2 $0x1  }
0x17: {  	s4 =	simm.s32 $0x1BF5;
	[smem:$0x3FB7] =	sst s0  }
0x18: {  	s0 =	sld [smem:$0x3F9A];
	_ =	swait.ge [sflag:s4], $0x0  }
0x19: {  	s7 =	sld [smem:$0x3F9B]  }
0x1a: {  	s8 =	sadd.s32 $0xFFFFE003, lr  }
0x1b: {  	s9 =	sadd.s32 $0xFFFFFEF7, lr;
	s5 =	simm.s32 $0xFFFFFFFF;
	p2 =	slt.u32 s8, $0xFFFFF086  }
0x1c: {  	p1 =	slt.u32 s9, $0xF7A;
	s5 =	simm.s32 @!p2 $0x0  }
0x1d: {  	s5 =	simm.s32 @p1 $0x1;
	p0 =	seq.s32 s7, s2  }
0x1e: {  	s7 =	smul.u32 @!p0 $0xF7A, s2;
	p2 =	seq.s32 @!p0 s5, $0x0  }
0x1f: {  	s9 =	smul.u32 $0xF7A, s1;
	s8 =	simm.s32 @!p0 $0x1BF5;
	p2 =	por !p2, p0  }
0x20: {  	[sflag:s8] =	ssyncset.s32 @!p0 $0xFFFFF086;
	s6 =	sadd.s32 @!p0 s3, s7;
	s7 =	simm.s32 @!p0 $0x108  }
0x21: {  	s3 =	sadd.s32 s3, s9;
	s6 =	sadd.s32 @!p0 $0x88, s6;
	s7 =	simm.s32 @p2 $0x1082  }
0x22: {  	[simem:s7], [sflag:s8] =	dma.local @!p0 [hbm:s6], $0xF7A  }
0x23: {  	s9 =	sor.u32 $0xD0000000, s2;
	s6 =	simm.s32 $0x108;
	_ =	swait.ge @!p0 [sflag:s8], $0x0  }
0x24: {  	s3 =	sadd.s32 $0x88, s3;
	s6 =	simm.s32 @!p1 $0x1082;
	[sflag:s4] =	ssyncset.s32 $0xFFFFF086  }
0x25: {  	[simem:s6], [sflag:s4] =	dma.local [hbm:s3], $0xF7A  }
0x26: {  	[smem:$0x3F9B] =	sst s1;
	(tag) =	ssettag s2;
	_ =	strace s9  }
0x27: {  	s1 =	sld [smem:$0x3FAB]  }
0x28: {  	s2 =	sld [smem:$0x3FAC]  }
0x29: {  	s4 =	sld [smem:$0x3FAE]  }
0x2a: {  	p0 =	seq.s32 s5, $0x0;
	s5 =	sld [smem:$0x3FAF]  }
0x2b: {  	s6 =	sld [smem:$0x3FB0]  }
0x2c: {  	s7 =	sld [smem:$0x3FB1]  }
0x2d: {  	s3 =	simm.s32 $0x108;
	s8 =	sld [smem:$0x3FB2]  }
0x2e: {  	s3 =	simm.s32 @!p0 $0x1082;
	s9 =	sld [smem:$0x3FB3]  }
0x2f: {  	lr =	sadd.s32 s0, s3;
	s0 =	sld [smem:$0x3FAA]  }
0x30: {  	s3 =	sld [smem:$0x3FAD]  }
0x31: {  	[smem:$0x3FB6] =	sst s10  }
0x32: {  	s10 =	sld [smem:$0x3FB4];
	_ =	sdelay $0x3  }
0x33: {  	p0 =	seq.s32 s10, $0x1;
	s10 =	sld [smem:$0x3FB6];
	_ =	sdelay $0x3  }
0x34: {  	[smem:$0x3FB6] =	sst s10  }
0x35: {  	s10 =	sld [smem:$0x3FB5];
	_ =	sdelay $0x3  }
0x36: {  	p1 =	seq.s32 s10, $0x1;
	s10 =	sld [smem:$0x3FB6];
	_ =	sdelay $0x3  }
0x37: {  	[smem:$0x3FB6] =	sst s10  }
0x38: {  	s10 =	sld [smem:$0x3FB7]  }
0x39: {  	_ = 	snop;
	(pc) =	sbr.ind lr, $3  }
0x3a: {  	_ = 	snop  }
0x3b: {  	_ = 	snop  }
0x3c: {  	p2 =	seq.s32 s10, $0x1;
	s10 =	sld [smem:$0x3FB6]  }
0x3d: {  	_ =	shalt  }
0x3e: {  	_ =	shalt  }
0x3f: {  	_ =	shalt  }
0x40: {  	_ =	shalt  }
0x41: {  	_ =	shalt  }
0x42: {  	_ =	shalt  }
0x43: {  	_ =	shalt  }
0x44: {  	_ =	shalt  }
0x45: {  	_ =	shalt  }
0x46: {  	_ =	shalt  }
0x47: {  	_ =	shalt  }
0x48: {  	_ =	shalt  }
0x49: {  	_ =	shalt  }
0x4a: {  	_ =	shalt  }
0x4b: {  	_ =	shalt  }
0x4c: {  	_ =	shalt  }
0x4d: {  	_ =	shalt  }
0x4e: {  	_ =	shalt  }
0x4f: {  	_ =	shalt  }
0x50: {  	_ =	shalt  }
0x51: {  	_ =	shalt  }
0x52: {  	_ =	shalt  }
0x53: {  	_ =	shalt  }
0x54: {  	_ =	shalt  }
0x55: {  	_ =	shalt  }
0x56: {  	_ =	shalt  }
0x57: {  	_ =	shalt  }
0x58: {  	_ =	shalt  }
0x59: {  	_ =	shalt  }
0x5a: {  	_ =	shalt  }
0x5b: {  	_ =	shalt  }
0x5c: {  	_ =	shalt  }
0x5d: {  	_ =	shalt  }
0x5e: {  	_ =	shalt  }
0x5f: {  	_ =	shalt  }
0x60: {  	_ =	shalt  }
0x61: {  	_ =	shalt  }
0x62: {  	_ =	shalt  }
0x63: {  	_ =	shalt  }
0x64: {  	_ =	shalt  }
0x65: {  	_ =	shalt  }
0x66: {  	_ =	shalt  }
0x67: {  	_ =	shalt  }
0x68: {  	_ =	shalt  }
0x69: {  	_ =	shalt  }
0x6a: {  	_ =	shalt  }
0x6b: {  	_ =	shalt  }
0x6c: {  	_ =	shalt  }
0x6d: {  	_ =	shalt  }
0x6e: {  	_ =	shalt  }
0x6f: {  	_ =	shalt  }
0x70: {  	_ =	shalt  }
0x71: {  	_ =	shalt  }
0x72: {  	_ =	shalt  }
0x73: {  	_ =	shalt  }
0x74: {  	_ =	shalt  }
0x75: {  	_ =	shalt  }
0x76: {  	_ =	shalt  }
0x77: {  	_ =	shalt  }
0x78: {  	_ =	shalt  }
0x79: {  	_ =	shalt  }
0x7a: {  	_ =	shalt  }
0x7b: {  	_ =	shalt  }
0x7c: {  	_ =	shalt  }
0x7d: {  	_ =	shalt  }
0x7e: {  	_ =	shalt  }
0x7f: {  	_ =	shalt  }
0x80: {  	_ =	shalt  }
0x81: {  	_ =	shalt  }
0x82: {  	_ =	shalt  }
0x83: {  	_ =	shalt  }
0x84: {  	_ =	shalt  }
0x85: {  	_ =	shalt  }
0x86: {  	_ =	shalt  }
0x87: {  	_ =	shalt  }
.Lfunc_end0:
.L_simem_size_0:
called_computation_lowered:
.L_overlay_start_0:
0x88: {  	s2 =	sld [smem:$0x3FD9]  }
0x89: {  	s3 =	sld [smem:$0x3FFE];
	_ =	sdelay $0x1  }
0x8a: {  	s1 =	srdreg.scid  }
0x8b: {  	s0 =	sand.u32 $0x1, s1  }
0x8c: {  	s17 =	sshll.u32 s0, $0xA;
	s2 =	sadd.s32 s3, s2  }
0x8d: {  	s2 =	sadd.s32 s2, s17  }
0x8e: {  	[smem:$0x3FC2] =	sst s2  }
0x8f: {  	_ = 	snop  }
0x90: {  	s2 =	sld [smem:$0x3FD0];
	(tm) =	ssettm $0x1  }
0x91: {  	s18 =	sld [smem:$0x3FFB];
	_ =	sdelay $0x3  }
0x92: {  	_ =	strace s18  }
0x93: {  	s3 =	sld [smem:$0x3FFC];
	_ =	sdelay $0x3  }
0x94: {  	_ =	strace s3  }
0x95: {  	s3 =	sld [smem:$0x3FFD];
	_ =	sdelay $0x3  }
0x96: {  	_ =	strace s3  }
0x97: {  	_ =	strace $0x8FFFFFFF  }
0x98: {  	s19 =	sld [smem:$0x3FDB];
	_ =	sdelay $0x1  }
0x99: {  	s4 =	simm.s32 $_scs_section_size  }
0x9a: {  	s5 =	simm.s32 $_size__tile_overlayer_lowered;
	s6 =	simm.s32 $_tile_overlayer_lowered  }
0x9b: {  	s22 =	simm.s32 $0x1BFF;
	s21 =	sshll.u32 s6, $0x1;
	s3 =	sadd.s32 s4, s19  }
0x9c: {  	s7 =	simm.s32 $0x0;
	s20 =	sshll.u32 s5, $0x1;
	s5 =	sadd.s32 s21, s3  }
0x9d: {  	[timem:s7], [sflag:s22] =	dma.local [hbm:s5], s20  }
0x9e: {  	_ =	swait.ge [sflag:s22], s20  }
0x9f: {  	s4 =	ssub.s32 $0x0, s20;
	[sflag:s22] =	ssyncset.done $0x0  }
0xa0: {  	[sflag:s22] =	ssyncadd.s32 s4;
	_ =	sdelay $0x1  }
0xa1: {  	s23 =	simm.s32 $0x1B8B  }
0xa2: {  	_ =	swait.ge [sflag:s23], $0x1  }
0xa3: {  	[sflag:s23] =	ssyncset.done $0x0  }
0xa4: {  	s25 =	simm.s32 $0x1B8E;
	s24 =	sld [smem:$0x3FFE];
	[sflag:s23] =	ssyncadd.s32 $0xFFFFFFFF  }
0xa5: {  	s26 =	simm.s32 $execute0_lowered;
	[smem:$0x3FD2] =	sst s25  }
0xa6: {  	s5 =	sshll.u32 s26, $0x1;
	_ =	strace $0x80000046;
	[dreg:$0x1] =	wrdreg $0xFFFFFFFF  }
0xa7: {  	s28 =	simm.s32 $_size_execute0_lowered;
	s3 =	sadd.s32 s3, s5;
	[dreg:$0x0] =	wrdreg $0x0  }
0xa8: {  	s5 =	sshll.u32 s28, $0x1;
	[dreg:$0x2] =	wrdreg s3  }
0xa9: {  	[dreg:$0x3] =	wrdreg s5  }
0xaa: {  	[dreg:$0x4] =	wrdreg $0xC0  }
0xab: {  	_ =	task [dreg:s7], $0x5FFFF  }
0xac: {  	[dreg:$0x1] =	wrdreg $0xFFFFFFFF  }
0xad: {  	[dreg:$0x0] =	wrdreg $0x60  }
0xae: {  	[dreg:$0x2] =	wrdreg s24  }
0xaf: {  	[dreg:$0x3] =	wrdreg s2  }
0xb0: {  	[dreg:$0x4] =	wrdreg $0x9  }
0xb1: {  	_ =	task.clear_ibuf [dreg:s7], $0x5FFFF;
	_ =	strace $0x90000046  }
0xb2: {  	s29 =	simm.s32 $0x9;
	_ =	strace $0x80000048  }
0xb3: {  	_ =	swait.ge [sflag:s29], $0x1  }
0xb4: {  	[sflag:s29] =	ssyncadd.s32 $0xFFFFFFFF  }
0xb5: {  	_ =	strace $0x90000048  }
0xb6: {  	_ =	sfence  }
0xb7: {  	s30 =	sld [smem:$0x0];
	_ =	sdelay $0x2  }
0xb8: {  	s31 =	sshll.u32 s1, $0xD;
	s1 =	sshrl.u32 s1, $0x2  }
0xb9: {  	s3 =	sand.u32 $0x4000, s31;
	s1 =	sadd.s32 s1, s30  }
0xba: {  	s0 =	sor.u32 s3, s0;
	s1 =	sshll.u32 s1, $0x11  }
0xbb: {  	s0 =	sor.u32 s1, s0  }
0xbc: {  	s0 =	sadd.s32 $0x8F2B, s0  }
0xbd: {  	[sflag:s0] =	ssyncadd.remote.s32 $0x1  }
0xbe: {  	_ =	sfence.sel $0xFFFF  }
0xbf: {  	[dreg:$0x0] =	wrdreg $0xFFFFFFFF;
	(pc) =	sbr.abs _section_cstart, $3  }
0xc0: {  	[dreg:$0x1] =	wrdreg $0xFFFFFFFF  }
0xc1: {  	_ =	task.clear_ibuf [dreg:s7], $0x2FFFF;
	_ =	strace $0x9FFFFFFF  }
0xc2: {  	(tm) =	ssettm $0x7FFFFFFF  }
0xc3: {  	_ =	shalt  }
tec
execute0_lowered:
.L_overlay_start_1:
0x0: {  	(tag) =	ssettag $0x1  }
0x1: {  	s0 =	srdreg.scid  }
0x2: {  	s4 =	rddreg [dreg:$0x0];
	s3 =	sand.u32 $0x1, s0  }
0x3: {  	s5 =	rddreg [dreg:$0x1];
	s0 =	stileid.u32;
	s1 =	sshll.u32 s3, $0x4  }
0x4: {  	s2 =	simm.s32 $0x0;
	s9 =	simm.s32 $0x400;
	s6 =	sor.u32 s0, s1  }
0x5: {  	s10 =	simm.s32 $0x0;
	[smem:$0x7FF] =	sst s2;
	s7 =	sshrl.u32 s6, $0x3  }
0x6: {  	s8 =	sshll.u32 s0, $0x7;
	s3 =	ssub.s32 $0x2, s3;
	s7 =	smul.u32 $0x13C00, s7  }
0x7: {  	s1 =	rddreg [dreg:$0x2];
	s8 =	sand.u32 $0x380, s8;
	s6 =	smul.u32 $0x500, s6  }
0x8: {  	_ =	strace $0x80000047;
	s31 =	sshrl.u32 s3, $0x1;
	s7 =	sor.u32 s8, s7  }
0x9: {  	s4 =	sadd.s32 s6, s4;
	s6 =	ssub.s32 s3, s31;
	s7 =	sshrl.u32 s7, $0x3  }
0xa: {  	s3 =	sadd.s32 $0x1800, s4;
	s8 =	simm.s32 $0x80;
	s4 =	sadd.s32 s5, s7  }
0xb: {  	v0 =	vimm.f32 $0.0e+00;
	v1 =	vimm.f32 $1.000000000e+00;
	s5 =	smax.u32 s6, $0x1;
	s6 =	simm.s32 $0x1;
	s7 =	simm.s32 $0x2800  }
.LBB2_1:
0xc: {  	[tilespmem:s2], [sflag:$0x1] =	stream.linear.gather [hbm4b:s3+s2], $0x2800, $0x38;
	[tilespmem:$0x4F80] =	vst v63  }
0xd: {  	_ =	swait.ge [sflag:s6], $0x2800  }
0xe: {  	[sflag:s6] =	ssyncset.done $0x0  }
0xf: {  	s11 =	simm.s32 $0x0;
	[sflag:s6] =	ssyncadd.s32 $0xFFFFD800  }
.LBB2_2:
0x10: {  	p0 =	sne.s32 s11, $0x9DC0  }
.Ltmp0:
0x11: {  	_ = 	snop;
	(pc) =	sbr.rel @p0 .LBB2_2-.Ltmp0, $3  }
0x12: {  	_ =	sdelay $0x1  }
0x13: {  	s12 =	sshra.s32 s11, $0x2  }
0x14: {  	s11 =	sadd.s32 $0x40, s11;
	[tilespmem:s12+$0x2800] =	vst v0  }
0x15: {  	s12 =	simm.s32 $0x0;
	s11 =	simm.s32 $0x40  }
.LBB2_4:
0x16: {  	p0 =	sne.s32 s11, $0x9FC0;
	v2 =	vld [tilespmem:s12+$0x0];
	_ =	sdelay $0x3  }
.Ltmp1:
0x17: {  	(pc) =	sbr.rel @p0 .LBB2_4-.Ltmp1, $2  }
0x18: {  	_ =	sdelay $0x2  }
0x19: {  	s12 =	sshra.s32 s11, $0x2;
	s11 =	sadd.s32 $0x40, s11;
	[tilespmem:v2+s7+$0x0] =	vst.idx.add.f32.msk $0xffff, v1  }
0x1a: {  	v2 =	vld [tilespmem:s12+$0x0];
	_ =	sdelay $0x5  }
0x1b: {  	s10 =	sadd.s32 $0x1, s10  }
0x1c: {  	p0 =	sne.s32 s10, s5  }
.Ltmp2:
0x1d: {  	[tilespmem:v2+s7+$0x0] =	vst.idx.add.f32.msk $0xffff, v1;
	(pc) =	sbr.rel @p0 .LBB2_1-.Ltmp2, $4  }
0x1e: {  	[hbm4b:s4+s8] =	stream.strided.scatter [tilespmem:s7], [sflag:$0x1], $0x2780, s9, s8, $0x38;
	[tilespmem:$0x4F80] =	vst v63  }
0x1f: {  	_ =	swait.ge [sflag:s6], $0x2780  }
0x20: {  	[sflag:s6] =	ssyncset.done $0x0  }
0x21: {  	[sflag:s6] =	ssyncadd.s32 $0xFFFFD880  }
0x22: {  	_ =	sfence.sel $0x180000  }
0x23: {  	[bflag:$0x0] =	sbarrier.arrive $0xFFFF  }
0x24: {  	p0 =	sne.s32 s0, $0x0;
	_ =	strace $0x90000047  }
0x25: {  	s0 =	sadd.s32 @!p0 $0x100000, s1;
	[bflag:$0x2] =	sbarrier.arrive $0xFFFF  }
0x26: {  	[sflag:s0] =	ssyncadd.tile.s32 @!p0 $0x1;
	_ =	shalt  }
.Lfunc_end2:
_tile_overlayer_lowered:
.L_overlay_start_2:
0x27: {  	(tag) =	ssettag $0x2  }
0x28: {  	s0 =	rddreg [dreg:$0x0];
	s2 =	stileid.u32  }
0x29: {  	s1 =	rddreg [dreg:$0x1];
	p0 =	sne.s32 s2, $0x0  }
0x2a: {  	s3 =	rddreg [dreg:$0x2];
	[bflag:$0x3] =	sbarrier.arrive $0xFFFF;
	s2 =	simm.s32 @!p0 $0x1C01  }
0x2b: {  	[timem:s3], [sflag:s2] =	dma.local @!p0 [hbm:s0], s1  }
0x2c: {  	s0 =	simm.s32 @!p0 $0x1  }
0x2d: {  	_ =	swait.ge @!p0 [sflag:s0], s1  }
0x2e: {  	s1 =	ssub.s32 @!p0 $0x0, s1;
	[sflag:s0] =	ssyncset.done @!p0 $0x0  }
0x2f: {  	[sflag:s0] =	ssyncadd.s32 @!p0 s1  }
0x30: {  	[bflag:$0x3] =	sbarrier.arrive $0xFFFF  }
0x31: {  	_ =	shalt  }

// kernel: kernel.13.cloned.1.call-start
scs
__scs_entry_jumppad:
0x0: {  	(pc) =	sbr.rel $0x88, $3  }
0x1: {  	(tag) =	ssettag $0x0;
	lr =	simm.s32 $0x1  }
0x2: {  	[smem:$0x3F9B] =	sst lr;
	_ =	strace $0xD0000000  }
0x3: {  	_ = 	snop  }
0x4: {  	_ = 	snop  }
0x5: {  	_ = 	snop  }
0x6: {  	_ = 	snop  }
0x7: {  	_ = 	snop  }
__scs_overlays_trampoline_lowered:
0x8: {  	[smem:$0x3FAA] =	sst s0  }
0x9: {  	[smem:$0x3FAB] =	sst s1  }
0xa: {  	[smem:$0x3FAC] =	sst s2  }
0xb: {  	[smem:$0x3FAD] =	sst s3  }
0xc: {  	[smem:$0x3FAE] =	sst s4  }
0xd: {  	[smem:$0x3FAF] =	sst s5  }
0xe: {  	[smem:$0x3FB0] =	sst s6  }
0xf: {  	[smem:$0x3FB1] =	sst s7  }
0x10: {  	[smem:$0x3FB2] =	sst s8  }
0x11: {  	[smem:$0x3FB3] =	sst s9;
	s0 =	simm.s32 @!p0 $0x0  }
0x12: {  	s1 =	sld [smem:$0x3F99];
	s0 =	simm.s32 @p0 $0x1  }
0x13: {  	[smem:$0x3FB4] =	sst s0;
	s0 =	simm.s32 @!p1 $0x0  }
0x14: {  	s2 =	sld [smem:$0x3F98];
	s0 =	simm.s32 @p1 $0x1  }
0x15: {  	[smem:$0x3FB5] =	sst s0;
	s0 =	simm.s32 @!p2 $0x0  }
0x16: {  	s3 =	sld [smem:$0x3FDB];
	s0 =	simm.s32 @p2 $0x1  }
0x17: {  	s4 =	simm.s32 $0x1BF5;
	[smem:$0x3FB7] =	sst s0  }
0x18: {  	s0 =	sld [smem:$0x3F9A];
	_ =	swait.ge [sflag:s4], $0x0  }
0x19: {  	s7 =	sld [smem:$0x3F9B]  }
0x1a: {  	s8 =	sadd.s32 $0xFFFFE003, lr  }
0x1b: {  	s9 =	sadd.s32 $0xFFFFFEF7, lr;
	s5 =	simm.s32 $0xFFFFFFFF;
	p2 =	slt.u32 s8, $0xFFFFF086  }
0x1c: {  	p1 =	slt.u32 s9, $0xF7A;
	s5 =	simm.s32 @!p2 $0x0  }
0x1d: {  	s5 =	simm.s32 @p1 $0x1;
	p0 =	seq.s32 s7, s2  }
0x1e: {  	s7 =	smul.u32 @!p0 $0xF7A, s2;
	p2 =	seq.s32 @!p0 s5, $0x0  }
0x1f: {  	s9 =	smul.u32 $0xF7A, s1;
	s8 =	simm.s32 @!p0 $0x1BF5;
	p2 =	por !p2, p0  }
0x20: {  	[sflag:s8] =	ssyncset.s32 @!p0 $0xFFFFF086;
	s6 =	sadd.s32 @!p0 s3, s7;
	s7 =	simm.s32 @!p0 $0x108  }
0x21: {  	s3 =	sadd.s32 s3, s9;
	s6 =	sadd.s32 @!p0 $0x88, s6;
	s7 =	simm.s32 @p2 $0x1082  }
0x22: {  	[simem:s7], [sflag:s8] =	dma.local @!p0 [hbm:s6], $0xF7A  }
0x23: {  	s9 =	sor.u32 $0xD0000000, s2;
	s6 =	simm.s32 $0x108;
	_ =	swait.ge @!p0 [sflag:s8], $0x0  }
0x24: {  	s3 =	sadd.s32 $0x88, s3;
	s6 =	simm.s32 @!p1 $0x1082;
	[sflag:s4] =	ssyncset.s32 $0xFFFFF086  }
0x25: {  	[simem:s6], [sflag:s4] =	dma.local [hbm:s3], $0xF7A  }
0x26: {  	[smem:$0x3F9B] =	sst s1;
	(tag) =	ssettag s2;
	_ =	strace s9  }
0x27: {  	s1 =	sld [smem:$0x3FAB]  }
0x28: {  	s2 =	sld [smem:$0x3FAC]  }
0x29: {  	s4 =	sld [smem:$0x3FAE]  }
0x2a: {  	p0 =	seq.s32 s5, $0x0;
	s5 =	sld [smem:$0x3FAF]  }
0x2b: {  	s6 =	sld [smem:$0x3FB0]  }
0x2c: {  	s7 =	sld [smem:$0x3FB1]  }
0x2d: {  	s3 =	simm.s32 $0x108;
	s8 =	sld [smem:$0x3FB2]  }
0x2e: {  	s3 =	simm.s32 @!p0 $0x1082;
	s9 =	sld [smem:$0x3FB3]  }
0x2f: {  	lr =	sadd.s32 s0, s3;
	s0 =	sld [smem:$0x3FAA]  }
0x30: {  	s3 =	sld [smem:$0x3FAD]  }
0x31: {  	[smem:$0x3FB6] =	sst s10  }
0x32: {  	s10 =	sld [smem:$0x3FB4];
	_ =	sdelay $0x3  }
0x33: {  	p0 =	seq.s32 s10, $0x1;
	s10 =	sld [smem:$0x3FB6];
	_ =	sdelay $0x3  }
0x34: {  	[smem:$0x3FB6] =	sst s10  }
0x35: {  	s10 =	sld [smem:$0x3FB5];
	_ =	sdelay $0x3  }
0x36: {  	p1 =	seq.s32 s10, $0x1;
	s10 =	sld [smem:$0x3FB6];
	_ =	sdelay $0x3  }
0x37: {  	[smem:$0x3FB6] =	sst s10  }
0x38: {  	s10 =	sld [smem:$0x3FB7]  }
0x39: {  	_ = 	snop;
	(pc) =	sbr.ind lr, $3  }
0x3a: {  	_ = 	snop  }
0x3b: {  	_ = 	snop  }
0x3c: {  	p2 =	seq.s32 s10, $0x1;
	s10 =	sld [smem:$0x3FB6]  }
0x3d: {  	_ =	shalt  }
0x3e: {  	_ =	shalt  }
0x3f: {  	_ =	shalt  }
0x40: {  	_ =	shalt  }
0x41: {  	_ =	shalt  }
0x42: {  	_ =	shalt  }
0x43: {  	_ =	shalt  }
0x44: {  	_ =	shalt  }
0x45: {  	_ =	shalt  }
0x46: {  	_ =	shalt  }
0x47: {  	_ =	shalt  }
0x48: {  	_ =	shalt  }
0x49: {  	_ =	shalt  }
0x4a: {  	_ =	shalt  }
0x4b: {  	_ =	shalt  }
0x4c: {  	_ =	shalt  }
0x4d: {  	_ =	shalt  }
0x4e: {  	_ =	shalt  }
0x4f: {  	_ =	shalt  }
0x50: {  	_ =	shalt  }
0x51: {  	_ =	shalt  }
0x52: {  	_ =	shalt  }
0x53: {  	_ =	shalt  }
0x54: {  	_ =	shalt  }
0x55: {  	_ =	shalt  }
0x56: {  	_ =	shalt  }
0x57: {  	_ =	shalt  }
0x58: {  	_ =	shalt  }
0x59: {  	_ =	shalt  }
0x5a: {  	_ =	shalt  }
0x5b: {  	_ =	shalt  }
0x5c: {  	_ =	shalt  }
0x5d: {  	_ =	shalt  }
0x5e: {  	_ =	shalt  }
0x5f: {  	_ =	shalt  }
0x60: {  	_ =	shalt  }
0x61: {  	_ =	shalt  }
0x62: {  	_ =	shalt  }
0x63: {  	_ =	shalt  }
0x64: {  	_ =	shalt  }
0x65: {  	_ =	shalt  }
0x66: {  	_ =	shalt  }
0x67: {  	_ =	shalt  }
0x68: {  	_ =	shalt  }
0x69: {  	_ =	shalt  }
0x6a: {  	_ =	shalt  }
0x6b: {  	_ =	shalt  }
0x6c: {  	_ =	shalt  }
0x6d: {  	_ =	shalt  }
0x6e: {  	_ =	shalt  }
0x6f: {  	_ =	shalt  }
0x70: {  	_ =	shalt  }
0x71: {  	_ =	shalt  }
0x72: {  	_ =	shalt  }
0x73: {  	_ =	shalt  }
0x74: {  	_ =	shalt  }
0x75: {  	_ =	shalt  }
0x76: {  	_ =	shalt  }
0x77: {  	_ =	shalt  }
0x78: {  	_ =	shalt  }
0x79: {  	_ =	shalt  }
0x7a: {  	_ =	shalt  }
0x7b: {  	_ =	shalt  }
0x7c: {  	_ =	shalt  }
0x7d: {  	_ =	shalt  }
0x7e: {  	_ =	shalt  }
0x7f: {  	_ =	shalt  }
0x80: {  	_ =	shalt  }
0x81: {  	_ =	shalt  }
0x82: {  	_ =	shalt  }
0x83: {  	_ =	shalt  }
0x84: {  	_ =	shalt  }
0x85: {  	_ =	shalt  }
0x86: {  	_ =	shalt  }
0x87: {  	_ =	shalt  }
.Lfunc_end0:
.L_simem_size_0:
called_computation.1_lowered:
.L_overlay_start_0:
0x88: {  	s2 =	sld [smem:$0x3FD9]  }
0x89: {  	s3 =	sld [smem:$0x3FFE];
	_ =	sdelay $0x1  }
0x8a: {  	s1 =	srdreg.scid  }
0x8b: {  	s0 =	sand.u32 $0x1, s1  }
0x8c: {  	s17 =	sshll.u32 s0, $0xA;
	s2 =	sadd.s32 s3, s2  }
0x8d: {  	s2 =	sadd.s32 s2, s17  }
0x8e: {  	[smem:$0x3FC2] =	sst s2  }
0x8f: {  	_ = 	snop  }
0x90: {  	s2 =	sld [smem:$0x3FD0];
	(tm) =	ssettm $0x1  }
0x91: {  	s18 =	sld [smem:$0x3FFB];
	_ =	sdelay $0x3  }
0x92: {  	_ =	strace s18  }
0x93: {  	s3 =	sld [smem:$0x3FFC];
	_ =	sdelay $0x3  }
0x94: {  	_ =	strace s3  }
0x95: {  	s3 =	sld [smem:$0x3FFD];
	_ =	sdelay $0x3  }
0x96: {  	_ =	strace s3  }
0x97: {  	_ =	strace $0x8FFFFFFF  }
0x98: {  	s19 =	sld [smem:$0x3FDB];
	_ =	sdelay $0x1  }
0x99: {  	s4 =	simm.s32 $_scs_section_size  }
0x9a: {  	s5 =	simm.s32 $_size__tile_overlayer_lowered;
	s6 =	simm.s32 $_tile_overlayer_lowered  }
0x9b: {  	s22 =	simm.s32 $0x1BFF;
	s21 =	sshll.u32 s6, $0x1;
	s3 =	sadd.s32 s4, s19  }
0x9c: {  	s7 =	simm.s32 $0x0;
	s20 =	sshll.u32 s5, $0x1;
	s5 =	sadd.s32 s21, s3  }
0x9d: {  	[timem:s7], [sflag:s22] =	dma.local [hbm:s5], s20  }
0x9e: {  	_ =	swait.ge [sflag:s22], s20  }
0x9f: {  	s4 =	ssub.s32 $0x0, s20;
	[sflag:s22] =	ssyncset.done $0x0  }
0xa0: {  	[sflag:s22] =	ssyncadd.s32 s4;
	_ =	sdelay $0x1  }
0xa1: {  	s23 =	simm.s32 $0x1B8B  }
0xa2: {  	_ =	swait.ge [sflag:s23], $0x1  }
0xa3: {  	[sflag:s23] =	ssyncset.done $0x0  }
0xa4: {  	s25 =	simm.s32 $0x1B8E;
	s24 =	sld [smem:$0x3FFE];
	[sflag:s23] =	ssyncadd.s32 $0xFFFFFFFF  }
0xa5: {  	s26 =	simm.s32 $execute0_lowered;
	[smem:$0x3FD2] =	sst s25  }
0xa6: {  	s5 =	sshll.u32 s26, $0x1;
	_ =	strace $0x80000049;
	[dreg:$0x1] =	wrdreg $0xFFFFFFFF  }
0xa7: {  	s28 =	simm.s32 $_size_execute0_lowered;
	s3 =	sadd.s32 s3, s5;
	[dreg:$0x0] =	wrdreg $0x0  }
0xa8: {  	s5 =	sshll.u32 s28, $0x1;
	[dreg:$0x2] =	wrdreg s3  }
0xa9: {  	[dreg:$0x3] =	wrdreg s5  }
0xaa: {  	[dreg:$0x4] =	wrdreg $0xC0  }
0xab: {  	_ =	task [dreg:s7], $0x5FFFF  }
0xac: {  	[dreg:$0x1] =	wrdreg $0xFFFFFFFF  }
0xad: {  	[dreg:$0x0] =	wrdreg $0x60  }
0xae: {  	[dreg:$0x2] =	wrdreg s2  }
0xaf: {  	[dreg:$0x3] =	wrdreg s24  }
0xb0: {  	[dreg:$0x4] =	wrdreg $0x90000  }
0xb1: {  	[dreg:$0x5] =	wrdreg $0x12E000  }
0xb2: {  	[dreg:$0x6] =	wrdreg $0x9  }
0xb3: {  	_ =	task.clear_ibuf [dreg:s7], $0x7FFFF;
	_ =	strace $0x90000049  }
0xb4: {  	s29 =	simm.s32 $0x9;
	_ =	strace $0x8000004B  }
0xb5: {  	_ =	swait.ge [sflag:s29], $0x1  }
0xb6: {  	[sflag:s29] =	ssyncadd.s32 $0xFFFFFFFF  }
0xb7: {  	_ =	strace $0x9000004B  }
0xb8: {  	_ =	sfence  }
0xb9: {  	s30 =	sld [smem:$0x0];
	_ =	sdelay $0x2  }
0xba: {  	s31 =	sshll.u32 s1, $0xD;
	s1 =	sshrl.u32 s1, $0x2  }
0xbb: {  	s3 =	sand.u32 $0x4000, s31;
	s1 =	sadd.s32 s1, s30  }
0xbc: {  	s0 =	sor.u32 s3, s0;
	s1 =	sshll.u32 s1, $0x11  }
0xbd: {  	s0 =	sor.u32 s1, s0  }
0xbe: {  	s0 =	sadd.s32 $0x8F2B, s0  }
0xbf: {  	[sflag:s0] =	ssyncadd.remote.s32 $0x1  }
0xc0: {  	_ =	sfence.sel $0xFFFF  }
0xc1: {  	[dreg:$0x0] =	wrdreg $0xFFFFFFFF;
	(pc) =	sbr.abs _section_cstart, $3  }
0xc2: {  	[dreg:$0x1] =	wrdreg $0xFFFFFFFF  }
0xc3: {  	_ =	task.clear_ibuf [dreg:s7], $0x2FFFF;
	_ =	strace $0x9FFFFFFF  }
0xc4: {  	(tm) =	ssettm $0x7FFFFFFF  }
0xc5: {  	_ =	shalt  }
tec
execute0_lowered:
.L_overlay_start_1:
0x0: {  	(tag) =	ssettag $0x1  }
0x1: {  	s6 =	rddreg [dreg:$0x0]  }
0x2: {  	s7 =	rddreg [dreg:$0x1]  }
0x3: {  	s2 =	rddreg [dreg:$0x2]  }
0x4: {  	s0 =	srdreg.scid;
	s3 =	rddreg [dreg:$0x3]  }
0x5: {  	s4 =	simm.s32 $0x0;
	s17 =	simm.s32 $0x1;
	s18 =	simm.s32 $0x2  }
0x6: {  	s19 =	simm.s32 $0x3;
	s20 =	simm.s32 $0x4;
	s21 =	simm.s32 $0x80  }
0x7: {  	s22 =	simm.s32 $0x5000;
	s23 =	simm.s32 $0x7000;
	s24 =	simm.s32 $0x4F00  }
0x8: {  	s25 =	simm.s32 $0x4F80;
	s26 =	simm.s32 $0x5;
	s28 =	simm.s32 $0x0  }
0x9: {  	s5 =	sand.u32 $0x1, s0;
	s0 =	stileid.u32;
	[smem:$0x7FF] =	sst s4  }
0xa: {  	s1 =	sshll.u32 s5, $0x4;
	s10 =	smul.u32 $0x9E000, s5;
	s5 =	ssub.s32 $0x2, s5  }
0xb: {  	s9 =	smul.u32 $0x9E00, s0;
	s1 =	sor.u32 s0, s1;
	s13 =	sshrl.u32 s5, $0x1  }
0xc: {  	s8 =	smul.u32 $0x500, s1;
	s1 =	rddreg [dreg:$0x4];
	_ =	strace $0x8000004A  }
0xd: {  	s31 =	sshrl.u32 s9, $0x3;
	s10 =	sadd.s32 s9, s10;
	s13 =	ssub.s32 s5, s13  }
0xe: {  	s5 =	sshll.u32 s0, $0x6;
	s15 =	sadd.s32 s9, s2;
	s16 =	sadd.s32 s9, s3  }
0xf: {  	s12 =	sadd.s32 s31, s7;
	s10 =	sshrl.u32 s10, $0x3;
	s6 =	sadd.s32 s6, s31  }
0x10: {  	s11 =	sadd.s32 s8, s7;
	s14 =	sadd.s32 s10, s7;
	s7 =	sor.u32 $0x1C01, s5  }
0x11: {  	s8 =	sadd.s32 $0x15800, s12;
	s12 =	smax.u32 s13, $0x1;
	s13 =	sshrl.u32 s15, $0x3  }
0x12: {  	s15 =	sshrl.u32 s16, $0x3;
	s16 =	simm.s32 $0x2800;
	s9 =	sadd.s32 $0xB800, s11  }
0x13: {  	s10 =	sadd.s32 $0x1800, s11;
	s11 =	sadd.s32 $0x29400, s14;
	s14 =	sor.u32 $0x1C02, s5  }
.LBB2_1:
0x14: {  	[spmem:s13], [sflag:s7] =	dma.local [hbm:s6], $0x13C0  }
0x15: {  	[spmem:s15], [sflag:s14] =	dma.local [hbm:s8], $0x13C0  }
0x16: {  	[tilespmem:s4], [sflag:$0x3] =	stream.linear.gather [hbm4b:s9+s4], $0x2800, $0x38;
	[tilespmem:$0x1CC00] =	vst v63  }
0x17: {  	_ = 	snop  }
0x18: {  	[tilespmem:s16], [sflag:$0x4] =	stream.linear.gather [hbm4b:s10+s4], $0x2800, $0x38;
	[tilespmem:$0x1CC00] =	vst v63  }
0x19: {  	_ =	swait.ge [sflag:s17], $0x13C0  }
0x1a: {  	[sflag:s17] =	ssyncset.done $0x0  }
0x1b: {  	[sflag:s17] =	ssyncadd.s32 $0xFFFFEC40  }
0x1c: {  	_ =	swait.ge [sflag:s18], $0x13C0  }
0x1d: {  	[sflag:s18] =	ssyncset.done $0x0  }
0x1e: {  	[sflag:s18] =	ssyncadd.s32 $0xFFFFEC40  }
0x1f: {  	_ =	swait.ge [sflag:s19], $0x2800  }
0x20: {  	[sflag:s19] =	ssyncset.done $0x0  }
0x21: {  	[sflag:s19] =	ssyncadd.s32 $0xFFFFD800  }
0x22: {  	_ =	swait.ge [sflag:s20], $0x2800  }
0x23: {  	[sflag:s20] =	ssyncset.done $0x0  }
0x24: {  	[sflag:s20] =	ssyncadd.s32 $0xFFFFD800  }
0x25: {  	[bflag:$0x0] =	sbarrier.arrive $0xFFFF  }
0x26: {  	[tilespmem:s22], [sflag:$0x1] =	stream.indirect.gather [spmem:s2], $0x40, s4, s21, $0xb8;
	[tilespmem:$0x1CC00] =	vst v63  }
0x27: {  	_ = 	snop  }
0x28: {  	[tilespmem:s23], [sflag:$0x2] =	stream.indirect.gather [spmem:s2], $0x40, s21, s21, $0xb8;
	[tilespmem:$0x1CC00] =	vst v63  }
0x29: {  	_ =	swait.ge [sflag:s17], $0x2000  }
0x2a: {  	[sflag:s17] =	ssyncset.done $0x0  }
0x2b: {  	s29 =	simm.s32 $0x2800;
	[sflag:s17] =	ssyncadd.s32 $0xFFFFE000  }
0x2c: {  	[spmem:s3] =	stream.indirect.scatter.add.f32 [tilespmem:s22], [sflag:$0x3], $0x40, s29, s21, $0xb8;
	[tilespmem:$0x1CC00] =	vst v63  }
0x2d: {  	_ =	swait.ge [sflag:s18], $0x2000  }
0x2e: {  	[sflag:s18] =	ssyncset.done $0x0  }
0x2f: {  	s29 =	simm.s32 $0x2880;
	[sflag:s18] =	ssyncadd.s32 $0xFFFFE000  }
0x30: {  	[spmem:s3] =	stream.indirect.scatter.add.f32 [tilespmem:s23], [sflag:$0x4], $0x40, s29, s21, $0xb8;
	[tilespmem:$0x1CC00] =	vst v63  }
0x31: {  	_ =	swait.ge [sflag:s19], $0x2000  }
0x32: {  	[sflag:s19] =	ssyncset.done $0x0  }
0x33: {  	s29 =	simm.s32 $0x100;
	[sflag:s19] =	ssyncadd.s32 $0xFFFFE000  }
0x34: {  	[tilespmem:s22], [sflag:$0x1] =	stream.indirect.gather [spmem:s2], $0x40, s29, s21, $0xb8;
	[tilespmem:$0x1CC00] =	vst v63  }
0x35: {  	_ =	swait.ge [sflag:s20], $0x2000  }
0x36: {  	[sflag:s20] =	ssyncset.done $0x0  }
0x37: {  	s30 =	simm.s32 $0x180;
	s29 =	simm.s32 $0x400;
	[sflag:s20] =	ssyncadd.s32 $0xFFFFE000  }
.LBB2_2:
0x38: {  	[tilespmem:s23], [sflag:$0x2] =	stream.indirect.gather [spmem:s2], $0x40, s30, s21, $0xb8;
	[tilespmem:$0x1CC00] =	vst v63  }
0x39: {  	s30 =	smov.u32 s29  }
0x3a: {  	p0 =	sne.s32 s29, $0x9800;
	s29 =	sadd.s32 $0x400, s29;
	_ =	swait.ge [sflag:s17], $0x2000  }
0x3b: {  	s30 =	sshra.s32 s30, $0x2;
	[sflag:s17] =	ssyncset.done $0x0  }
0x3c: {  	s31 =	sadd.s32 $0x2800, s30;
	[sflag:s17] =	ssyncadd.s32 $0xFFFFE000  }
0x3d: {  	[spmem:s3] =	stream.indirect.scatter.add.f32 [tilespmem:s22], [sflag:$0x3], $0x40, s31, s21, $0xb8;
	[tilespmem:$0x1CC00] =	vst v63  }
0x3e: {  	_ =	swait.ge [sflag:s18], $0x2000  }
0x3f: {  	[sflag:s18] =	ssyncset.done $0x0  }
0x40: {  	s31 =	sadd.s32 $0x2880, s30;
	[sflag:s18] =	ssyncadd.s32 $0xFFFFE000  }
0x41: {  	[spmem:s3] =	stream.indirect.scatter.add.f32 [tilespmem:s23], [sflag:$0x4], $0x40, s31, s21, $0xb8;
	[tilespmem:$0x1CC00] =	vst v63  }
0x42: {  	_ =	swait.ge [sflag:s19], $0x2000  }
0x43: {  	[sflag:s19] =	ssyncset.done $0x0  }
.Ltmp0:
0x44: {  	s31 =	sadd.s32 $0x100, s30;
	[sflag:s19] =	ssyncadd.s32 $0xFFFFE000;
	(pc) =	sbr.rel @p0 .LBB2_2-.Ltmp0, $4  }
0x45: {  	[tilespmem:s22], [sflag:$0x1] =	stream.indirect.gather [spmem:s2], $0x40, s31, s21, $0xb8;
	[tilespmem:$0x1CC00] =	vst v63  }
0x46: {  	_ =	swait.ge [sflag:s20], $0x2000  }
0x47: {  	[sflag:s20] =	ssyncset.done $0x0  }
0x48: {  	s30 =	sadd.s32 $0x180, s30;
	[sflag:s20] =	ssyncadd.s32 $0xFFFFE000  }
0x49: {  	[tilespmem:s23], [sflag:$0x2] =	stream.indirect.gather [spmem:s2], $0x40, s30, s21, $0xb8;
	[tilespmem:$0x1CC00] =	vst v63  }
0x4a: {  	_ =	swait.ge [sflag:s17], $0x2000  }
0x4b: {  	[sflag:s17] =	ssyncset.done $0x0  }
0x4c: {  	[sflag:s17] =	ssyncadd.s32 $0xFFFFE000  }
0x4d: {  	[spmem:s3] =	stream.indirect.scatter.add.f32 [tilespmem:s22], [sflag:$0x3], $0x40, s24, s21, $0xb8;
	[tilespmem:$0x1CC00] =	vst v63  }
0x4e: {  	_ =	swait.ge [sflag:s18], $0x2000  }
0x4f: {  	[sflag:s18] =	ssyncset.done $0x0  }
0x50: {  	[sflag:s18] =	ssyncadd.s32 $0xFFFFE000  }
0x51: {  	[spmem:s3] =	stream.indirect.scatter.add.f32 [tilespmem:s23], [sflag:$0x4], $0x40, s25, s21, $0xb8;
	[tilespmem:$0x1CC00] =	vst v63  }
0x52: {  	_ =	swait.ge [sflag:s19], $0x2000  }
0x53: {  	[sflag:s19] =	ssyncset.done $0x0  }
0x54: {  	[sflag:s19] =	ssyncadd.s32 $0xFFFFE000  }
0x55: {  	[tilespmem:s22], [sflag:$0x1] =	stream.indirect.gather [spmem:s2], $0x40, s4, s21, $0xb8;
	[tilespmem:$0x1CC00] =	vst v63  }
0x56: {  	_ =	swait.ge [sflag:s20], $0x2000  }
0x57: {  	[sflag:s20] =	ssyncset.done $0x0  }
0x58: {  	[sflag:s20] =	ssyncadd.s32 $0xFFFFE000  }
0x59: {  	[tilespmem:s23], [sflag:$0x2] =	stream.indirect.gather [spmem:s2], $0x40, s21, s21, $0xb8;
	[tilespmem:$0x1CC00] =	vst v63  }
0x5a: {  	_ =	swait.ge [sflag:s17], $0x2000  }
0x5b: {  	[sflag:s17] =	ssyncset.done $0x0  }
0x5c: {  	[sflag:s17] =	ssyncadd.s32 $0xFFFFE000  }
0x5d: {  	_ =	swait.ge [sflag:s18], $0x2000  }
0x5e: {  	s28 =	sadd.s32 $0x1, s28;
	[sflag:s18] =	ssyncset.done $0x0  }
0x5f: {  	p0 =	sne.s32 s28, s12;
	[sflag:s18] =	ssyncadd.s32 $0xFFFFE000  }
.Ltmp1:
0x60: {  	s29 =	sor.u32 $0x1C05, s5;
	[bflag:$0x0] =	sbarrier.arrive $0xFFFF;
	(pc) =	sbr.rel @p0 .LBB2_1-.Ltmp1, $4  }
0x61: {  	[hbm:s11], [sflag:s29] =	dma.local [spmem:s15], $0x13C0  }
0x62: {  	_ =	swait.ge [sflag:s26], $0x13C0  }
0x63: {  	[sflag:s26] =	ssyncset.done $0x0  }
0x64: {  	[sflag:s26] =	ssyncadd.s32 $0xFFFFEC40  }
0x65: {  	_ =	sfence.sel $0x180000  }
0x66: {  	[bflag:$0x0] =	sbarrier.arrive $0xFFFF  }
0x67: {  	p0 =	sne.s32 s0, $0x0;
	_ =	strace $0x9000004A  }
0x68: {  	s0 =	sadd.s32 @!p0 $0x100000, s1;
	[bflag:$0x2] =	sbarrier.arrive $0xFFFF  }
0x69: {  	[sflag:s0] =	ssyncadd.tile.s32 @!p0 $0x1;
	_ =	shalt  }
.Lfunc_end2:
_tile_overlayer_lowered:
.L_overlay_start_2:
0x6a: {  	(tag) =	ssettag $0x2  }
0x6b: {  	s0 =	rddreg [dreg:$0x0];
	s2 =	stileid.u32  }
0x6c: {  	s1 =	rddreg [dreg:$0x1];
	p0 =	sne.s32 s2, $0x0  }
0x6d: {  	s3 =	rddreg [dreg:$0x2];
	[bflag:$0x3] =	sbarrier.arrive $0xFFFF;
	s2 =	simm.s32 @!p0 $0x1C05  }
0x6e: {  	[timem:s3], [sflag:s2] =	dma.local @!p0 [hbm:s0], s1  }
0x6f: {  	s0 =	simm.s32 @!p0 $0x5  }
0x70: {  	_ =	swait.ge @!p0 [sflag:s0], s1  }
0x71: {  	s1 =	ssub.s32 @!p0 $0x0, s1;
	[sflag:s0] =	ssyncset.done @!p0 $0x0  }
0x72: {  	[sflag:s0] =	ssyncadd.s32 @!p0 s1  }
0x73: {  	[bflag:$0x3] =	sbarrier.arrive $0xFFFF  }
0x74: {  	_ =	shalt  }

// kernel: kernel.16.cloned.1.call-start
scs
__scs_entry_jumppad:
0x0: {  	(pc) =	sbr.rel $0x88, $3  }
0x1: {  	(tag) =	ssettag $0x0;
	lr =	simm.s32 $0x1  }
0x2: {  	[smem:$0x3F9B] =	sst lr;
	_ =	strace $0xD0000000  }
0x3: {  	_ = 	snop  }
0x4: {  	_ = 	snop  }
0x5: {  	_ = 	snop  }
0x6: {  	_ = 	snop  }
0x7: {  	_ = 	snop  }
__scs_overlays_trampoline_lowered:
0x8: {  	[smem:$0x3FAA] =	sst s0  }
0x9: {  	[smem:$0x3FAB] =	sst s1  }
0xa: {  	[smem:$0x3FAC] =	sst s2  }
0xb: {  	[smem:$0x3FAD] =	sst s3  }
0xc: {  	[smem:$0x3FAE] =	sst s4  }
0xd: {  	[smem:$0x3FAF] =	sst s5  }
0xe: {  	[smem:$0x3FB0] =	sst s6  }
0xf: {  	[smem:$0x3FB1] =	sst s7  }
0x10: {  	[smem:$0x3FB2] =	sst s8  }
0x11: {  	[smem:$0x3FB3] =	sst s9;
	s0 =	simm.s32 @!p0 $0x0  }
0x12: {  	s1 =	sld [smem:$0x3F99];
	s0 =	simm.s32 @p0 $0x1  }
0x13: {  	[smem:$0x3FB4] =	sst s0;
	s0 =	simm.s32 @!p1 $0x0  }
0x14: {  	s2 =	sld [smem:$0x3F98];
	s0 =	simm.s32 @p1 $0x1  }
0x15: {  	[smem:$0x3FB5] =	sst s0;
	s0 =	simm.s32 @!p2 $0x0  }
0x16: {  	s3 =	sld [smem:$0x3FDB];
	s0 =	simm.s32 @p2 $0x1  }
0x17: {  	s4 =	simm.s32 $0x1BF5;
	[smem:$0x3FB7] =	sst s0  }
0x18: {  	s0 =	sld [smem:$0x3F9A];
	_ =	swait.ge [sflag:s4], $0x0  }
0x19: {  	s7 =	sld [smem:$0x3F9B]  }
0x1a: {  	s8 =	sadd.s32 $0xFFFFE003, lr  }
0x1b: {  	s9 =	sadd.s32 $0xFFFFFEF7, lr;
	s5 =	simm.s32 $0xFFFFFFFF;
	p2 =	slt.u32 s8, $0xFFFFF086  }
0x1c: {  	p1 =	slt.u32 s9, $0xF7A;
	s5 =	simm.s32 @!p2 $0x0  }
0x1d: {  	s5 =	simm.s32 @p1 $0x1;
	p0 =	seq.s32 s7, s2  }
0x1e: {  	s7 =	smul.u32 @!p0 $0xF7A, s2;
	p2 =	seq.s32 @!p0 s5, $0x0  }
0x1f: {  	s9 =	smul.u32 $0xF7A, s1;
	s8 =	simm.s32 @!p0 $0x1BF5;
	p2 =	por !p2, p0  }
0x20: {  	[sflag:s8] =	ssyncset.s32 @!p0 $0xFFFFF086;
	s6 =	sadd.s32 @!p0 s3, s7;
	s7 =	simm.s32 @!p0 $0x108  }
0x21: {  	s3 =	sadd.s32 s3, s9;
	s6 =	sadd.s32 @!p0 $0x88, s6;
	s7 =	simm.s32 @p2 $0x1082  }
0x22: {  	[simem:s7], [sflag:s8] =	dma.local @!p0 [hbm:s6], $0xF7A  }
0x23: {  	s9 =	sor.u32 $0xD0000000, s2;
	s6 =	simm.s32 $0x108;
	_ =	swait.ge @!p0 [sflag:s8], $0x0  }
0x24: {  	s3 =	sadd.s32 $0x88, s3;
	s6 =	simm.s32 @!p1 $0x1082;
	[sflag:s4] =	ssyncset.s32 $0xFFFFF086  }
0x25: {  	[simem:s6], [sflag:s4] =	dma.local [hbm:s3], $0xF7A  }
0x26: {  	[smem:$0x3F9B] =	sst s1;
	(tag) =	ssettag s2;
	_ =	strace s9  }
0x27: {  	s1 =	sld [smem:$0x3FAB]  }
0x28: {  	s2 =	sld [smem:$0x3FAC]  }
0x29: {  	s4 =	sld [smem:$0x3FAE]  }
0x2a: {  	p0 =	seq.s32 s5, $0x0;
	s5 =	sld [smem:$0x3FAF]  }
0x2b: {  	s6 =	sld [smem:$0x3FB0]  }
0x2c: {  	s7 =	sld [smem:$0x3FB1]  }
0x2d: {  	s3 =	simm.s32 $0x108;
	s8 =	sld [smem:$0x3FB2]  }
0x2e: {  	s3 =	simm.s32 @!p0 $0x1082;
	s9 =	sld [smem:$0x3FB3]  }
0x2f: {  	lr =	sadd.s32 s0, s3;
	s0 =	sld [smem:$0x3FAA]  }
0x30: {  	s3 =	sld [smem:$0x3FAD]  }
0x31: {  	[smem:$0x3FB6] =	sst s10  }
0x32: {  	s10 =	sld [smem:$0x3FB4];
	_ =	sdelay $0x3  }
0x33: {  	p0 =	seq.s32 s10, $0x1;
	s10 =	sld [smem:$0x3FB6];
	_ =	sdelay $0x3  }
0x34: {  	[smem:$0x3FB6] =	sst s10  }
0x35: {  	s10 =	sld [smem:$0x3FB5];
	_ =	sdelay $0x3  }
0x36: {  	p1 =	seq.s32 s10, $0x1;
	s10 =	sld [smem:$0x3FB6];
	_ =	sdelay $0x3  }
0x37: {  	[smem:$0x3FB6] =	sst s10  }
0x38: {  	s10 =	sld [smem:$0x3FB7]  }
0x39: {  	_ = 	snop;
	(pc) =	sbr.ind lr, $3  }
0x3a: {  	_ = 	snop  }
0x3b: {  	_ = 	snop  }
0x3c: {  	p2 =	seq.s32 s10, $0x1;
	s10 =	sld [smem:$0x3FB6]  }
0x3d: {  	_ =	shalt  }
0x3e: {  	_ =	shalt  }
0x3f: {  	_ =	shalt  }
0x40: {  	_ =	shalt  }
0x41: {  	_ =	shalt  }
0x42: {  	_ =	shalt  }
0x43: {  	_ =	shalt  }
0x44: {  	_ =	shalt  }
0x45: {  	_ =	shalt  }
0x46: {  	_ =	shalt  }
0x47: {  	_ =	shalt  }
0x48: {  	_ =	shalt  }
0x49: {  	_ =	shalt  }
0x4a: {  	_ =	shalt  }
0x4b: {  	_ =	shalt  }
0x4c: {  	_ =	shalt  }
0x4d: {  	_ =	shalt  }
0x4e: {  	_ =	shalt  }
0x4f: {  	_ =	shalt  }
0x50: {  	_ =	shalt  }
0x51: {  	_ =	shalt  }
0x52: {  	_ =	shalt  }
0x53: {  	_ =	shalt  }
0x54: {  	_ =	shalt  }
0x55: {  	_ =	shalt  }
0x56: {  	_ =	shalt  }
0x57: {  	_ =	shalt  }
0x58: {  	_ =	shalt  }
0x59: {  	_ =	shalt  }
0x5a: {  	_ =	shalt  }
0x5b: {  	_ =	shalt  }
0x5c: {  	_ =	shalt  }
0x5d: {  	_ =	shalt  }
0x5e: {  	_ =	shalt  }
0x5f: {  	_ =	shalt  }
0x60: {  	_ =	shalt  }
0x61: {  	_ =	shalt  }
0x62: {  	_ =	shalt  }
0x63: {  	_ =	shalt  }
0x64: {  	_ =	shalt  }
0x65: {  	_ =	shalt  }
0x66: {  	_ =	shalt  }
0x67: {  	_ =	shalt  }
0x68: {  	_ =	shalt  }
0x69: {  	_ =	shalt  }
0x6a: {  	_ =	shalt  }
0x6b: {  	_ =	shalt  }
0x6c: {  	_ =	shalt  }
0x6d: {  	_ =	shalt  }
0x6e: {  	_ =	shalt  }
0x6f: {  	_ =	shalt  }
0x70: {  	_ =	shalt  }
0x71: {  	_ =	shalt  }
0x72: {  	_ =	shalt  }
0x73: {  	_ =	shalt  }
0x74: {  	_ =	shalt  }
0x75: {  	_ =	shalt  }
0x76: {  	_ =	shalt  }
0x77: {  	_ =	shalt  }
0x78: {  	_ =	shalt  }
0x79: {  	_ =	shalt  }
0x7a: {  	_ =	shalt  }
0x7b: {  	_ =	shalt  }
0x7c: {  	_ =	shalt  }
0x7d: {  	_ =	shalt  }
0x7e: {  	_ =	shalt  }
0x7f: {  	_ =	shalt  }
0x80: {  	_ =	shalt  }
0x81: {  	_ =	shalt  }
0x82: {  	_ =	shalt  }
0x83: {  	_ =	shalt  }
0x84: {  	_ =	shalt  }
0x85: {  	_ =	shalt  }
0x86: {  	_ =	shalt  }
0x87: {  	_ =	shalt  }
.Lfunc_end0:
.L_simem_size_0:
called_computation.2_lowered:
.L_overlay_start_0:
0x88: {  	s2 =	sld [smem:$0x3FD9]  }
0x89: {  	s3 =	sld [smem:$0x3FFE];
	_ =	sdelay $0x1  }
0x8a: {  	s1 =	srdreg.scid  }
0x8b: {  	s0 =	sand.u32 $0x1, s1  }
0x8c: {  	s17 =	sshll.u32 s0, $0xA;
	s2 =	sadd.s32 s3, s2  }
0x8d: {  	s2 =	sadd.s32 s2, s17  }
0x8e: {  	[smem:$0x3FC2] =	sst s2  }
0x8f: {  	_ = 	snop  }
0x90: {  	s2 =	sld [smem:$0x3FD0];
	(tm) =	ssettm $0x1  }
0x91: {  	s18 =	sld [smem:$0x3FFB];
	_ =	sdelay $0x3  }
0x92: {  	_ =	strace s18  }
0x93: {  	s3 =	sld [smem:$0x3FFC];
	_ =	sdelay $0x3  }
0x94: {  	_ =	strace s3  }
0x95: {  	s3 =	sld [smem:$0x3FFD];
	_ =	sdelay $0x3  }
0x96: {  	_ =	strace s3  }
0x97: {  	_ =	strace $0x8FFFFFFF  }
0x98: {  	s19 =	sld [smem:$0x3FDB];
	_ =	sdelay $0x1  }
0x99: {  	s4 =	simm.s32 $_scs_section_size  }
0x9a: {  	s5 =	simm.s32 $_size__tile_overlayer_lowered;
	s6 =	simm.s32 $_tile_overlayer_lowered  }
0x9b: {  	s22 =	simm.s32 $0x1BFF;
	s21 =	sshll.u32 s6, $0x1;
	s3 =	sadd.s32 s4, s19  }
0x9c: {  	s7 =	simm.s32 $0x0;
	s20 =	sshll.u32 s5, $0x1;
	s5 =	sadd.s32 s21, s3  }
0x9d: {  	[timem:s7], [sflag:s22] =	dma.local [hbm:s5], s20  }
0x9e: {  	_ =	swait.ge [sflag:s22], s20  }
0x9f: {  	s4 =	ssub.s32 $0x0, s20;
	[sflag:s22] =	ssyncset.done $0x0  }
0xa0: {  	[sflag:s22] =	ssyncadd.s32 s4;
	_ =	sdelay $0x1  }
0xa1: {  	s23 =	simm.s32 $0x1B8B  }
0xa2: {  	_ =	swait.ge [sflag:s23], $0x1  }
0xa3: {  	[sflag:s23] =	ssyncset.done $0x0  }
0xa4: {  	s25 =	simm.s32 $0x1B8E;
	s24 =	sld [smem:$0x3FFE];
	[sflag:s23] =	ssyncadd.s32 $0xFFFFFFFF  }
0xa5: {  	s26 =	simm.s32 $execute0_lowered;
	[smem:$0x3FD2] =	sst s25  }
0xa6: {  	s5 =	sshll.u32 s26, $0x1;
	_ =	strace $0x8000004C;
	[dreg:$0x1] =	wrdreg $0xFFFFFFFF  }
0xa7: {  	s28 =	simm.s32 $_size_execute0_lowered;
	s3 =	sadd.s32 s3, s5;
	[dreg:$0x0] =	wrdreg $0x0  }
0xa8: {  	s5 =	sshll.u32 s28, $0x1;
	[dreg:$0x2] =	wrdreg s3  }
0xa9: {  	[dreg:$0x3] =	wrdreg s5  }
0xaa: {  	[dreg:$0x4] =	wrdreg $0xC0  }
0xab: {  	_ =	task [dreg:s7], $0x5FFFF  }
0xac: {  	[dreg:$0x1] =	wrdreg $0xFFFFFFFF  }
0xad: {  	[dreg:$0x0] =	wrdreg $0x60  }
0xae: {  	[dreg:$0x2] =	wrdreg s2  }
0xaf: {  	[dreg:$0x3] =	wrdreg s24  }
0xb0: {  	[dreg:$0x4] =	wrdreg $0x60000  }
0xb1: {  	[dreg:$0x5] =	wrdreg $0x87800  }
0xb2: {  	[dreg:$0x6] =	wrdreg $0x9  }
0xb3: {  	_ =	task.clear_ibuf [dreg:s7], $0x7FFFF;
	_ =	strace $0x9000004C  }
0xb4: {  	s29 =	simm.s32 $0x9;
	_ =	strace $0x8000004E  }
0xb5: {  	_ =	swait.ge [sflag:s29], $0x1  }
0xb6: {  	[sflag:s29] =	ssyncadd.s32 $0xFFFFFFFF  }
0xb7: {  	_ =	strace $0x9000004E  }
0xb8: {  	_ =	sfence  }
0xb9: {  	s30 =	sld [smem:$0x0];
	_ =	sdelay $0x2  }
0xba: {  	s31 =	sshll.u32 s1, $0xD;
	s1 =	sshrl.u32 s1, $0x2  }
0xbb: {  	s3 =	sand.u32 $0x4000, s31;
	s1 =	sadd.s32 s1, s30  }
0xbc: {  	s0 =	sor.u32 s3, s0;
	s1 =	sshll.u32 s1, $0x11  }
0xbd: {  	s0 =	sor.u32 s1, s0  }
0xbe: {  	s0 =	sadd.s32 $0x8F2B, s0  }
0xbf: {  	[sflag:s0] =	ssyncadd.remote.s32 $0x1  }
0xc0: {  	_ =	sfence.sel $0xFFFF  }
0xc1: {  	[dreg:$0x0] =	wrdreg $0xFFFFFFFF;
	(pc) =	sbr.abs _section_cstart, $3  }
0xc2: {  	[dreg:$0x1] =	wrdreg $0xFFFFFFFF  }
0xc3: {  	_ =	task.clear_ibuf [dreg:s7], $0x2FFFF;
	_ =	strace $0x9FFFFFFF  }
0xc4: {  	(tm) =	ssettm $0x7FFFFFFF  }
0xc5: {  	_ =	shalt  }
tec
execute0_lowered:
.L_overlay_start_1:
0x0: {  	(tag) =	ssettag $0x1  }
0x1: {  	s6 =	rddreg [dreg:$0x0]  }
0x2: {  	s7 =	rddreg [dreg:$0x1]  }
0x3: {  	s2 =	rddreg [dreg:$0x2]  }
0x4: {  	s0 =	srdreg.scid;
	s3 =	rddreg [dreg:$0x3]  }
0x5: {  	s4 =	simm.s32 $0x0;
	s17 =	simm.s32 $0x1;
	s18 =	simm.s32 $0x2  }
0x6: {  	s19 =	simm.s32 $0x3;
	s20 =	simm.s32 $0x4;
	s21 =	simm.s32 $0x80  }
0x7: {  	s22 =	simm.s32 $0x5000;
	s23 =	simm.s32 $0x5800;
	s24 =	simm.s32 $0x4F00  }
0x8: {  	s25 =	simm.s32 $0x4F80;
	s26 =	simm.s32 $0x5;
	s28 =	simm.s32 $0x0  }
0x9: {  	s5 =	sand.u32 $0x1, s0;
	s0 =	stileid.u32;
	[smem:$0x7FF] =	sst s4  }
0xa: {  	s1 =	sshll.u32 s5, $0x4;
	s10 =	smul.u32 $0x27800, s5;
	s5 =	ssub.s32 $0x2, s5  }
0xb: {  	s9 =	smul.u32 $0x2780, s0;
	s1 =	sor.u32 s0, s1;
	s13 =	sshrl.u32 s5, $0x1  }
0xc: {  	s8 =	smul.u32 $0x500, s1;
	s1 =	rddreg [dreg:$0x4];
	_ =	strace $0x8000004D  }
0xd: {  	s31 =	sshrl.u32 s9, $0x3;
	s10 =	sadd.s32 s9, s10;
	s13 =	ssub.s32 s5, s13  }
0xe: {  	s5 =	sshll.u32 s0, $0x6;
	s15 =	sadd.s32 s9, s2;
	s16 =	sadd.s32 s9, s3  }
0xf: {  	s12 =	sadd.s32 s31, s7;
	s10 =	sshrl.u32 s10, $0x3;
	s6 =	sadd.s32 s6, s31  }
0x10: {  	s11 =	sadd.s32 s8, s7;
	s14 =	sadd.s32 s10, s7;
	s7 =	sor.u32 $0x1C01, s5  }
0x11: {  	s8 =	sadd.s32 $0x15800, s12;
	s12 =	smax.u32 s13, $0x1;
	s13 =	sshrl.u32 s15, $0x3  }
0x12: {  	s15 =	sshrl.u32 s16, $0x3;
	s16 =	simm.s32 $0x2800;
	s9 =	sadd.s32 $0xB800, s11  }
0x13: {  	s10 =	sadd.s32 $0x1800, s11;
	s11 =	sadd.s32 $0x1A800, s14;
	s14 =	sor.u32 $0x1C02, s5  }
.LBB2_1:
0x14: {  	[spmem:s13], [sflag:s7] =	dma.local [hbm:s6], $0x4F0  }
0x15: {  	[spmem:s15], [sflag:s14] =	dma.local [hbm:s8], $0x4F0  }
0x16: {  	[tilespmem:s4], [sflag:$0x3] =	stream.linear.gather [hbm4b:s9+s4], $0x2800, $0x38;
	[tilespmem:$0xAF00] =	vst v63  }
0x17: {  	_ = 	snop  }
0x18: {  	[tilespmem:s16], [sflag:$0x4] =	stream.linear.gather [hbm4b:s10+s4], $0x2800, $0x38;
	[tilespmem:$0xAF00] =	vst v63  }
0x19: {  	_ =	swait.ge [sflag:s17], $0x4F0  }
0x1a: {  	[sflag:s17] =	ssyncset.done $0x0  }
0x1b: {  	[sflag:s17] =	ssyncadd.s32 $0xFFFFFB10  }
0x1c: {  	_ =	swait.ge [sflag:s18], $0x4F0  }
0x1d: {  	[sflag:s18] =	ssyncset.done $0x0  }
0x1e: {  	[sflag:s18] =	ssyncadd.s32 $0xFFFFFB10  }
0x1f: {  	_ =	swait.ge [sflag:s19], $0x2800  }
0x20: {  	[sflag:s19] =	ssyncset.done $0x0  }
0x21: {  	[sflag:s19] =	ssyncadd.s32 $0xFFFFD800  }
0x22: {  	_ =	swait.ge [sflag:s20], $0x2800  }
0x23: {  	[sflag:s20] =	ssyncset.done $0x0  }
0x24: {  	[sflag:s20] =	ssyncadd.s32 $0xFFFFD800  }
0x25: {  	[bflag:$0x0] =	sbarrier.arrive $0xFFFF  }
0x26: {  	[tilespmem:s22], [sflag:$0x1] =	stream.indirect.gather [spmem:s2], $0x10, s4, s21, $0xb8;
	[tilespmem:$0xAF00] =	vst v63  }
0x27: {  	_ = 	snop  }
0x28: {  	[tilespmem:s23], [sflag:$0x2] =	stream.indirect.gather [spmem:s2], $0x10, s21, s21, $0xb8;
	[tilespmem:$0xAF00] =	vst v63  }
0x29: {  	_ =	swait.ge [sflag:s17], $0x800  }
0x2a: {  	[sflag:s17] =	ssyncset.done $0x0  }
0x2b: {  	s29 =	simm.s32 $0x2800;
	[sflag:s17] =	ssyncadd.s32 $0xFFFFF800  }
0x2c: {  	[spmem:s3] =	stream.indirect.scatter.add.f32 [tilespmem:s22], [sflag:$0x3], $0x10, s29, s21, $0xb8;
	[tilespmem:$0xAF00] =	vst v63  }
0x2d: {  	_ =	swait.ge [sflag:s18], $0x800  }
0x2e: {  	[sflag:s18] =	ssyncset.done $0x0  }
0x2f: {  	s29 =	simm.s32 $0x2880;
	[sflag:s18] =	ssyncadd.s32 $0xFFFFF800  }
0x30: {  	[spmem:s3] =	stream.indirect.scatter.add.f32 [tilespmem:s23], [sflag:$0x4], $0x10, s29, s21, $0xb8;
	[tilespmem:$0xAF00] =	vst v63  }
0x31: {  	_ =	swait.ge [sflag:s19], $0x800  }
0x32: {  	[sflag:s19] =	ssyncset.done $0x0  }
0x33: {  	s29 =	simm.s32 $0x100;
	[sflag:s19] =	ssyncadd.s32 $0xFFFFF800  }
0x34: {  	[tilespmem:s22], [sflag:$0x1] =	stream.indirect.gather [spmem:s2], $0x10, s29, s21, $0xb8;
	[tilespmem:$0xAF00] =	vst v63  }
0x35: {  	_ =	swait.ge [sflag:s20], $0x800  }
0x36: {  	[sflag:s20] =	ssyncset.done $0x0  }
0x37: {  	s30 =	simm.s32 $0x180;
	s29 =	simm.s32 $0x400;
	[sflag:s20] =	ssyncadd.s32 $0xFFFFF800  }
.LBB2_2:
0x38: {  	[tilespmem:s23], [sflag:$0x2] =	stream.indirect.gather [spmem:s2], $0x10, s30, s21, $0xb8;
	[tilespmem:$0xAF00] =	vst v63  }
0x39: {  	s30 =	smov.u32 s29  }
0x3a: {  	p0 =	sne.s32 s29, $0x9800;
	s29 =	sadd.s32 $0x400, s29;
	_ =	swait.ge [sflag:s17], $0x800  }
0x3b: {  	s30 =	sshra.s32 s30, $0x2;
	[sflag:s17] =	ssyncset.done $0x0  }
0x3c: {  	s31 =	sadd.s32 $0x2800, s30;
	[sflag:s17] =	ssyncadd.s32 $0xFFFFF800  }
0x3d: {  	[spmem:s3] =	stream.indirect.scatter.add.f32 [tilespmem:s22], [sflag:$0x3], $0x10, s31, s21, $0xb8;
	[tilespmem:$0xAF00] =	vst v63  }
0x3e: {  	_ =	swait.ge [sflag:s18], $0x800  }
0x3f: {  	[sflag:s18] =	ssyncset.done $0x0  }
0x40: {  	s31 =	sadd.s32 $0x2880, s30;
	[sflag:s18] =	ssyncadd.s32 $0xFFFFF800  }
0x41: {  	[spmem:s3] =	stream.indirect.scatter.add.f32 [tilespmem:s23], [sflag:$0x4], $0x10, s31, s21, $0xb8;
	[tilespmem:$0xAF00] =	vst v63  }
0x42: {  	_ =	swait.ge [sflag:s19], $0x800  }
0x43: {  	[sflag:s19] =	ssyncset.done $0x0  }
.Ltmp0:
0x44: {  	s31 =	sadd.s32 $0x100, s30;
	[sflag:s19] =	ssyncadd.s32 $0xFFFFF800;
	(pc) =	sbr.rel @p0 .LBB2_2-.Ltmp0, $4  }
0x45: {  	[tilespmem:s22], [sflag:$0x1] =	stream.indirect.gather [spmem:s2], $0x10, s31, s21, $0xb8;
	[tilespmem:$0xAF00] =	vst v63  }
0x46: {  	_ =	swait.ge [sflag:s20], $0x800  }
0x47: {  	[sflag:s20] =	ssyncset.done $0x0  }
0x48: {  	s30 =	sadd.s32 $0x180, s30;
	[sflag:s20] =	ssyncadd.s32 $0xFFFFF800  }
0x49: {  	[tilespmem:s23], [sflag:$0x2] =	stream.indirect.gather [spmem:s2], $0x10, s30, s21, $0xb8;
	[tilespmem:$0xAF00] =	vst v63  }
0x4a: {  	_ =	swait.ge [sflag:s17], $0x800  }
0x4b: {  	[sflag:s17] =	ssyncset.done $0x0  }
0x4c: {  	[sflag:s17] =	ssyncadd.s32 $0xFFFFF800  }
0x4d: {  	[spmem:s3] =	stream.indirect.scatter.add.f32 [tilespmem:s22], [sflag:$0x3], $0x10, s24, s21, $0xb8;
	[tilespmem:$0xAF00] =	vst v63  }
0x4e: {  	_ =	swait.ge [sflag:s18], $0x800  }
0x4f: {  	[sflag:s18] =	ssyncset.done $0x0  }
0x50: {  	[sflag:s18] =	ssyncadd.s32 $0xFFFFF800  }
0x51: {  	[spmem:s3] =	stream.indirect.scatter.add.f32 [tilespmem:s23], [sflag:$0x4], $0x10, s25, s21, $0xb8;
	[tilespmem:$0xAF00] =	vst v63  }
0x52: {  	_ =	swait.ge [sflag:s19], $0x800  }
0x53: {  	[sflag:s19] =	ssyncset.done $0x0  }
0x54: {  	[sflag:s19] =	ssyncadd.s32 $0xFFFFF800  }
0x55: {  	[tilespmem:s22], [sflag:$0x1] =	stream.indirect.gather [spmem:s2], $0x10, s4, s21, $0xb8;
	[tilespmem:$0xAF00] =	vst v63  }
0x56: {  	_ =	swait.ge [sflag:s20], $0x800  }
0x57: {  	[sflag:s20] =	ssyncset.done $0x0  }
0x58: {  	[sflag:s20] =	ssyncadd.s32 $0xFFFFF800  }
0x59: {  	[tilespmem:s23], [sflag:$0x2] =	stream.indirect.gather [spmem:s2], $0x10, s21, s21, $0xb8;
	[tilespmem:$0xAF00] =	vst v63  }
0x5a: {  	_ =	swait.ge [sflag:s17], $0x800  }
0x5b: {  	[sflag:s17] =	ssyncset.done $0x0  }
0x5c: {  	[sflag:s17] =	ssyncadd.s32 $0xFFFFF800  }
0x5d: {  	_ =	swait.ge [sflag:s18], $0x800  }
0x5e: {  	s28 =	sadd.s32 $0x1, s28;
	[sflag:s18] =	ssyncset.done $0x0  }
0x5f: {  	p0 =	sne.s32 s28, s12;
	[sflag:s18] =	ssyncadd.s32 $0xFFFFF800  }
.Ltmp1:
0x60: {  	s29 =	sor.u32 $0x1C05, s5;
	[bflag:$0x0] =	sbarrier.arrive $0xFFFF;
	(pc) =	sbr.rel @p0 .LBB2_1-.Ltmp1, $4  }
0x61: {  	[hbm:s11], [sflag:s29] =	dma.local [spmem:s15], $0x4F0  }
0x62: {  	_ =	swait.ge [sflag:s26], $0x4F0  }
0x63: {  	[sflag:s26] =	ssyncset.done $0x0  }
0x64: {  	[sflag:s26] =	ssyncadd.s32 $0xFFFFFB10  }
0x65: {  	_ =	sfence.sel $0x180000  }
0x66: {  	[bflag:$0x0] =	sbarrier.arrive $0xFFFF  }
0x67: {  	p0 =	sne.s32 s0, $0x0;
	_ =	strace $0x9000004D  }
0x68: {  	s0 =	sadd.s32 @!p0 $0x100000, s1;
	[bflag:$0x2] =	sbarrier.arrive $0xFFFF  }
0x69: {  	[sflag:s0] =	ssyncadd.tile.s32 @!p0 $0x1;
	_ =	shalt  }
.Lfunc_end2:
_tile_overlayer_lowered:
.L_overlay_start_2:
0x6a: {  	(tag) =	ssettag $0x2  }
0x6b: {  	s0 =	rddreg [dreg:$0x0];
	s2 =	stileid.u32  }
0x6c: {  	s1 =	rddreg [dreg:$0x1];
	p0 =	sne.s32 s2, $0x0  }
0x6d: {  	s3 =	rddreg [dreg:$0x2];
	[bflag:$0x3] =	sbarrier.arrive $0xFFFF;
	s2 =	simm.s32 @!p0 $0x1C05  }
0x6e: {  	[timem:s3], [sflag:s2] =	dma.local @!p0 [hbm:s0], s1  }
0x6f: {  	s0 =	simm.s32 @!p0 $0x5  }
0x70: {  	_ =	swait.ge @!p0 [sflag:s0], s1  }
0x71: {  	s1 =	ssub.s32 @!p0 $0x0, s1;
	[sflag:s0] =	ssyncset.done @!p0 $0x0  }
0x72: {  	[sflag:s0] =	ssyncadd.s32 @!p0 s1  }
0x73: {  	[bflag:$0x3] =	sbarrier.arrive $0xFFFF  }
0x74: {  	_ =	shalt  }

</sc_bundles>
